<compile_context>
chip_gen: v7x
topology: tpu7x:2x2x1
jax: 0.10.2.dev20260603
libtpu: 0.0.44.dev20260713+nightly
codegen_flags: <defaults>
</compile_context>

<pallas_src>
import functools

import jax
import jax.numpy as jnp
from jax import lax
from jax.experimental import pallas as pl
from jax.experimental.pallas import tpu as pltpu
from jax.experimental.pallas import tpu_sc as plsc

_N = 100000
_NPAD = 102400
_ROWS_PER_TILE = _NPAD // 16
_ZCHUNK = 400
_NW = 32


def _mlp_ln_tc(edge_feat, W1, b1, W2, b2, W3, b3, ln_g, ln_b):
    E = edge_feat.shape[0]
    E8 = E // 8
    BEB = 2000
    grid = (E8 // BEB,)

    x8 = jnp.reshape(edge_feat, (E8, 128))
    eye8 = jnp.eye(8, dtype=jnp.float32)
    W1b = jnp.kron(eye8, W1)
    W2b = jnp.kron(eye8, W2)
    W3b = jnp.kron(eye8, W3)
    Gm = jnp.kron(eye8, jnp.full((16, 16), 1.0 / 16.0, jnp.float32))
    b1b = jnp.tile(b1, 8)
    b2b = jnp.tile(b2, 8)
    b3b = jnp.tile(b3, 8)
    gb = jnp.tile(ln_g, 8)
    bb = jnp.tile(ln_b, 8)

    def body(x_ref, w1_ref, w2_ref, w3_ref, gm_ref, b1_ref, b2_ref, b3_ref,
             g_ref, bb_ref, o_ref):
        x = x_ref[...]
        m = jnp.maximum(jnp.dot(x, w1_ref[...],
                                preferred_element_type=jnp.float32)
                        + b1_ref[...][None, :], 0.0)
        m = jnp.maximum(jnp.dot(m, w2_ref[...],
                                preferred_element_type=jnp.float32)
                        + b2_ref[...][None, :], 0.0)
        m = jnp.dot(m, w3_ref[...],
                    preferred_element_type=jnp.float32) + b3_ref[...][None, :]
        gm = gm_ref[...]
        mu = jnp.dot(m, gm, preferred_element_type=jnp.float32)
        d = m - mu
        var = jnp.dot(d * d, gm, preferred_element_type=jnp.float32)
        y = d * lax.rsqrt(var + 1e-5)
        o_ref[...] = y * g_ref[...][None, :] + bb_ref[...][None, :]

    wspec = pl.BlockSpec((128, 128), lambda i: (0, 0))
    vspec = pl.BlockSpec((128,), lambda i: (0,))
    m8 = pl.pallas_call(
        body,
        grid=grid,
        in_specs=[pl.BlockSpec((BEB, 128), lambda i: (i, 0)),
                  wspec, wspec, wspec, wspec,
                  vspec, vspec, vspec, vspec, vspec],
        out_specs=pl.BlockSpec((BEB, 128), lambda i: (i, 0)),
        out_shape=jax.ShapeDtypeStruct((E8, 128), jnp.float32),
    )(x8, W1b, W2b, W3b, Gm, b1b, b2b, b3b, gb, bb)
    return jnp.reshape(m8, (E, 16))


def _sc_scatter_msgs(m, dst, src):
    E = m.shape[0]
    C = 800
    per_w = E // _NW
    n_chunks = per_w // C
    mesh = plsc.VectorSubcoreMesh(core_axis_name="c", subcore_axis_name="s")

    @functools.partial(
        pl.kernel,
        out_type=(jax.ShapeDtypeStruct((2, _NPAD, 16), jnp.float32),
                  jax.ShapeDtypeStruct((2, _NPAD), jnp.float32),
                  jax.ShapeDtypeStruct((2, _NPAD), jnp.float32)),
        mesh=mesh,
        compiler_params=pltpu.CompilerParams(use_tc_tiling_on_sc=False),
        scratch_types=(
            pltpu.VMEM_SHARED((_NPAD, 16), jnp.float32),
            pltpu.VMEM_SHARED((_NPAD,), jnp.float32),
            pltpu.VMEM_SHARED((_NPAD,), jnp.float32),
            pltpu.VMEM((C, 16), jnp.float32),
            pltpu.VMEM((C,), jnp.int32),
            pltpu.VMEM((C,), jnp.int32),
            pltpu.VMEM((C,), jnp.float32),
        ),
    )
    def body(m_hbm, dst_hbm, src_hbm, h_out, din_out, dout_out,
             h_sh, din_sh, dout_sh, rows_v, dsti_v, srci_v, ones_v):
        cid = lax.axis_index("c")
        sid = lax.axis_index("s")
        wid = sid * 2 + cid

        zeros16 = jnp.zeros((16,), jnp.float32)
        ones16 = jnp.ones((16,), jnp.float32)

        @pl.loop(0, _ZCHUNK)
        def _(i):
            rows_v[i, :] = zeros16

        @pl.loop(0, _ZCHUNK // 16)
        def _(i):
            ones_v[pl.ds(i * 16, 16)] = zeros16

        tb = sid * _ROWS_PER_TILE

        @pl.loop(0, _ROWS_PER_TILE // _ZCHUNK)
        def _(k):
            o = tb + k * _ZCHUNK
            pltpu.sync_copy(rows_v.at[pl.ds(0, _ZCHUNK), :],
                            h_sh.at[pl.ds(o, _ZCHUNK), :])
            pltpu.sync_copy(ones_v.at[pl.ds(0, _ZCHUNK)],
                            din_sh.at[pl.ds(o, _ZCHUNK)])
            pltpu.sync_copy(ones_v.at[pl.ds(0, _ZCHUNK)],
                            dout_sh.at[pl.ds(o, _ZCHUNK)])

        @pl.loop(0, C // 16)
        def _(i):
            ones_v[pl.ds(i * 16, 16)] = ones16

        plsc.subcore_barrier()

        @pl.loop(0, n_chunks)
        def _(i):
            base = wid * per_w + i * C
            pltpu.sync_copy(m_hbm.at[pl.ds(base, C), :], rows_v)
            pltpu.sync_copy(dst_hbm.at[pl.ds(base, C)], dsti_v)
            pltpu.sync_copy(src_hbm.at[pl.ds(base, C)], srci_v)
            pltpu.sync_copy(rows_v, h_sh.at[dsti_v], add=True)
            pltpu.sync_copy(ones_v, din_sh.at[dsti_v], add=True)
            pltpu.sync_copy(ones_v, dout_sh.at[srci_v], add=True)

        plsc.subcore_barrier()

        pltpu.sync_copy(h_sh.at[pl.ds(tb, _ROWS_PER_TILE), :],
                        h_out.at[cid, pl.ds(tb, _ROWS_PER_TILE), :])
        pltpu.sync_copy(din_sh.at[pl.ds(tb, _ROWS_PER_TILE)],
                        din_out.at[cid, pl.ds(tb, _ROWS_PER_TILE)])
        pltpu.sync_copy(dout_sh.at[pl.ds(tb, _ROWS_PER_TILE)],
                        dout_out.at[cid, pl.ds(tb, _ROWS_PER_TILE)])

    return body(m, dst, src)


def _rsqrt_newton(x):
    i = lax.bitcast_convert_type(x, jnp.int32)
    i = 0x5F3759DF - lax.shift_right_logical(i, 1)
    y = lax.bitcast_convert_type(i, jnp.float32)
    for _ in range(4):
        y = y * (1.5 - 0.5 * x * y * y)
    return y


def _sc_scale(h_p, dout_p, din_p):
    RPW = _NPAD // _NW
    mesh = plsc.VectorSubcoreMesh(core_axis_name="c", subcore_axis_name="s")

    @functools.partial(
        pl.kernel,
        out_type=(jax.ShapeDtypeStruct((_NPAD, 16), jnp.float32),
                  jax.ShapeDtypeStruct((_NPAD,), jnp.float32)),
        mesh=mesh,
        compiler_params=pltpu.CompilerParams(use_tc_tiling_on_sc=False),
        scratch_types=(
            pltpu.VMEM((RPW, 16), jnp.float32),
            pltpu.VMEM((RPW, 16), jnp.float32),
            pltpu.VMEM((RPW,), jnp.float32),
            pltpu.VMEM((RPW,), jnp.float32),
            pltpu.VMEM((RPW,), jnp.float32),
            pltpu.VMEM((RPW,), jnp.float32),
        ),
    )
    def body(hp_hbm, dop_hbm, dip_hbm, feat_out, sin_out,
             h0_v, h1_v, do0_v, do1_v, di0_v, di1_v):
        cid = lax.axis_index("c")
        sid = lax.axis_index("s")
        wid = sid * 2 + cid
        base = wid * RPW

        pltpu.sync_copy(hp_hbm.at[0, pl.ds(base, RPW), :], h0_v)
        pltpu.sync_copy(hp_hbm.at[1, pl.ds(base, RPW), :], h1_v)
        pltpu.sync_copy(dop_hbm.at[0, pl.ds(base, RPW)], do0_v)
        pltpu.sync_copy(dop_hbm.at[1, pl.ds(base, RPW)], do1_v)
        pltpu.sync_copy(dip_hbm.at[0, pl.ds(base, RPW)], di0_v)
        pltpu.sync_copy(dip_hbm.at[1, pl.ds(base, RPW)], di1_v)

        @pl.loop(0, RPW // 16)
        def _(k):
            o = k * 16
            dout = do0_v[pl.ds(o, 16)] + do1_v[pl.ds(o, 16)]
            do0_v[pl.ds(o, 16)] = _rsqrt_newton(jnp.maximum(dout, 1.0))
            din = di0_v[pl.ds(o, 16)] + di1_v[pl.ds(o, 16)]
            di0_v[pl.ds(o, 16)] = _rsqrt_newton(jnp.maximum(din, 1.0))

        @pl.loop(0, RPW // 16)
        def _(k):
            s16 = do0_v[pl.ds(k * 16, 16)]
            for j in range(16):
                r = k * 16 + j
                h0_v[r, :] = (h0_v[r, :] + h1_v[r, :]) * s16[j]

        pltpu.sync_copy(h0_v, feat_out.at[pl.ds(base, RPW), :])
        pltpu.sync_copy(di0_v, sin_out.at[pl.ds(base, RPW)])

    return body(h_p, dout_p, din_p)


def _sc_gather_scatter(feat, src, dst):
    E = src.shape[0]
    C = 1000
    per_w = E // _NW
    n_chunks = per_w // C
    mesh = plsc.VectorSubcoreMesh(core_axis_name="c", subcore_axis_name="s")

    @functools.partial(
        pl.kernel,
        out_type=jax.ShapeDtypeStruct((2, _NPAD, 16), jnp.float32),
        mesh=mesh,
        compiler_params=pltpu.CompilerParams(use_tc_tiling_on_sc=False),
        scratch_types=(
            pltpu.VMEM_SHARED((_NPAD, 16), jnp.float32),
            pltpu.VMEM((C, 16), jnp.float32),
            pltpu.VMEM((C,), jnp.int32),
            pltpu.VMEM((C,), jnp.int32),
            pltpu.SemaphoreType.DMA,
        ),
    )
    def body(feat_hbm, src_hbm, dst_hbm, agg_out,
             agg_sh, rows_v, srci_v, dsti_v, sem):
        cid = lax.axis_index("c")
        sid = lax.axis_index("s")
        wid = sid * 2 + cid

        zeros16 = jnp.zeros((16,), jnp.float32)

        @pl.loop(0, _ZCHUNK)
        def _(i):
            rows_v[i, :] = zeros16

        tb = sid * _ROWS_PER_TILE

        @pl.loop(0, _ROWS_PER_TILE // _ZCHUNK)
        def _(k):
            pltpu.sync_copy(rows_v.at[pl.ds(0, _ZCHUNK), :],
                            agg_sh.at[pl.ds(tb + k * _ZCHUNK, _ZCHUNK), :])

        plsc.subcore_barrier()

        @pl.loop(0, n_chunks)
        def _(i):
            base = wid * per_w + i * C
            pltpu.sync_copy(src_hbm.at[pl.ds(base, C)], srci_v)
            pltpu.sync_copy(dst_hbm.at[pl.ds(base, C)], dsti_v)
            pltpu.async_copy(feat_hbm.at[srci_v], rows_v, sem).wait()
            pltpu.sync_copy(rows_v, agg_sh.at[dsti_v], add=True)

        plsc.subcore_barrier()

        pltpu.sync_copy(agg_sh.at[pl.ds(tb, _ROWS_PER_TILE), :],
                        agg_out.at[cid, pl.ds(tb, _ROWS_PER_TILE), :])

    return body(feat, src, dst)


def _final_tc(agg2, dsc, Wg, bg):
    BN = 2048
    grid = (pl.cdiv(_N, BN),)

    def body(a0_ref, a1_ref, dsc_ref, wg_ref, bg_ref, o_ref):
        a = (a0_ref[...] + a1_ref[...]) * dsc_ref[...][:, None]
        o = jnp.dot(a, wg_ref[...], preferred_element_type=jnp.float32)
        o_ref[...] = jnp.maximum(o + bg_ref[...][None, :], 0.0)

    return pl.pallas_call(
        body,
        grid=grid,
        in_specs=[pl.BlockSpec((BN, 16), lambda i: (i, 0)),
                  pl.BlockSpec((BN, 16), lambda i: (i + _NPAD // BN, 0)),
                  pl.BlockSpec((BN,), lambda i: (i,)),
                  pl.BlockSpec((16, 128), lambda i: (0, 0)),
                  pl.BlockSpec((128,), lambda i: (0,))],
        out_specs=pl.BlockSpec((BN, 128), lambda i: (i, 0)),
        out_shape=jax.ShapeDtypeStruct((_N, 128), jnp.float32),
    )(agg2, agg2, dsc, Wg, bg)


def kernel(edge_feat, edge_index, W1, b1, W2, b2, W3, b3, ln_g, ln_b, Wg, bg):
    src = edge_index[0]
    dst = edge_index[1]
    m = _mlp_ln_tc(edge_feat, W1, b1, W2, b2, W3, b3, ln_g, ln_b)
    h_p, din_p, dout_p = _sc_scatter_msgs(m, dst, src)
    feat, dsc = _sc_scale(h_p, dout_p, din_p)
    agg_p = _sc_gather_scatter(feat, src, dst)
    agg2 = jnp.reshape(agg_p, (2 * _NPAD, 16))
    return _final_tc(agg2, dsc, Wg, bg)

# --- scband reference (transcript-rebuilt; emitter-appended) ---
"""Pipeline reference for scband-contrastive-model-edges-features-47278999994907 (READ-ONLY COPY).

The authoritative reference and input builder live on the scoring server;
editing this copy changes nothing except your own understanding.
"""

import jax, jax.numpy as jnp
import numpy as np

N = 100000
E = 3200000
IN_DIM = 16
OUT_DIM = 16
HID = 128


def setup_inputs(seed: int = 0) -> dict:
    key = jax.random.key(seed)
    ks = jax.random.split(key, 8)
    edge_feat = jax.random.normal(ks[0], (E, IN_DIM), dtype=jnp.float32)
    edge_index = jax.random.randint(ks[1], (2, E), 0, N, dtype=jnp.int32)
    W1 = jax.random.normal(ks[2], (IN_DIM, OUT_DIM), dtype=jnp.float32) * (1.0 / np.sqrt(IN_DIM))
    b1 = jnp.zeros((OUT_DIM,), jnp.float32)
    W2 = jax.random.normal(ks[3], (OUT_DIM, OUT_DIM), dtype=jnp.float32) * (1.0 / np.sqrt(OUT_DIM))
    b2 = jnp.zeros((OUT_DIM,), jnp.float32)
    W3 = jax.random.normal(ks[4], (OUT_DIM, OUT_DIM), dtype=jnp.float32) * (1.0 / np.sqrt(OUT_DIM))
    b3 = jnp.zeros((OUT_DIM,), jnp.float32)
    ln_g = jnp.ones((OUT_DIM,), jnp.float32)
    ln_b = jnp.zeros((OUT_DIM,), jnp.float32)
    Wg = jax.random.normal(ks[5], (OUT_DIM, HID), dtype=jnp.float32) * (1.0 / np.sqrt(OUT_DIM))
    bg = jnp.zeros((HID,), jnp.float32)
    return {"edge_feat": edge_feat, "edge_index": edge_index, "W1": W1, "b1": b1,
            "W2": W2, "b2": b2, "W3": W3, "b3": b3, "ln_g": ln_g, "ln_b": ln_b,
            "Wg": Wg, "bg": bg}


def _layernorm(x, g, b, eps=1e-5):
    mu = jnp.mean(x, axis=-1, keepdims=True)
    var = jnp.var(x, axis=-1, keepdims=True)
    return (x - mu) / jnp.sqrt(var + eps) * g + b


def reference(edge_feat, edge_index, W1, b1, W2, b2, W3, b3, ln_g, ln_b, Wg, bg):
    src = edge_index[0]
    dst = edge_index[1]
    # message_func: 3-layer MLP on edge features, then LayerNorm
    m = jax.nn.relu(edge_feat @ W1 + b1)
    m = jax.nn.relu(m @ W2 + b2)
    m = m @ W3 + b3
    m = _layernorm(m, ln_g, ln_b)
    # fn.sum('new_m', 'h'): scatter-add messages to destination nodes
    h = jax.ops.segment_sum(m, dst, num_segments=N)
    # GraphConv(16 -> 128, norm='both'): D_out^-1/2 on src side, aggregate, D_in^-1/2 on dst side
    ones = jnp.ones((E,), jnp.float32)
    deg_out = jnp.clip(jax.ops.segment_sum(ones, src, num_segments=N), 1.0, None)
    deg_in = jnp.clip(jax.ops.segment_sum(ones, dst, num_segments=N), 1.0, None)
    feat = h * (deg_out ** -0.5)[:, None]
    # in_feats (16) < out_feats (128): aggregate first, then apply weight (DGL ordering)
    agg = jax.ops.segment_sum(feat[src], dst, num_segments=N)
    agg = agg * (deg_in ** -0.5)[:, None]
    out = agg @ Wg + bg
    out = jax.nn.relu(out)
    # dropout is identity in eval mode
    return out

if __name__ == "__main__":
    import jax
    _d = setup_inputs()
    print(jax.jit(kernel)(*tuple(_d.values())))

</pallas_src>

<mosaic_0001>
#map = affine_map<(d0, d1) -> (0, 0, 0)>
#map1 = affine_map<(d0, d1) -> (0, 0)>
#map2 = affine_map<(d0, d1) -> (0)>
module attributes {stable_mosaic.version = 14 : i64} {
  func.func @body(%arg0: i32, %arg1: i32, %arg2: memref<2x102400x16xf32, #tpu.memory_space<hbm>>, %arg3: memref<2x102400xf32, #tpu.memory_space<hbm>>, %arg4: memref<2x102400xf32, #tpu.memory_space<hbm>>, %arg5: memref<102400x16xf32, #tpu.memory_space<hbm>>, %arg6: memref<102400xf32, #tpu.memory_space<hbm>>, %arg7: memref<3200x16xf32, #tpu.memory_space<vmem>>, %arg8: memref<3200x16xf32, #tpu.memory_space<vmem>>, %arg9: memref<3200xf32, #tpu.memory_space<vmem>>, %arg10: memref<3200xf32, #tpu.memory_space<vmem>>, %arg11: memref<3200xf32, #tpu.memory_space<vmem>>, %arg12: memref<3200xf32, #tpu.memory_space<vmem>>) attributes {dimension_semantics = [#tpu.dimension_semantics<core_parallel>, #tpu.dimension_semantics<subcore_parallel>], iteration_bounds = array<i64: 2, 16>, scalar_prefetch = 0 : i64, scratch_operands = 6 : i64, tpu.core_type = #tpu.core_type<sc_vector_subcore>, window_params = [{transform_indices = #map}, {transform_indices = #map1}, {transform_indices = #map1}, {transform_indices = #map1}, {transform_indices = #map2}]} {
    %mul3A = arith.constant 2 : i32
    %mul3A_0 = arith.muli %arg1, %mul3A : i32
    %add3A = arith.addi %mul3A_0, %arg0 : i32
    %mul3A_1 = arith.constant 3200 : i32
    %mul3A_2 = arith.muli %add3A, %mul3A_1 : i32
    %run_scoped3A = arith.constant 0 : i32
    "tpu.region"() ({
      %run_scoped3A_17 = tpu.sem_alloc : memref<!tpu.dma_semaphore, #tpu.memory_space<semaphore_mem>>
      %dma_start3A = arith.constant 0 : i32
      %dma_start3A_18 = tpu.memref_slice %arg2[%run_scoped3A, %mul3A_2, %dma_start3A] : memref<2x102400x16xf32, #tpu.memory_space<hbm>> -> memref<1x3200x16xf32, #tpu.memory_space<hbm>>
      %dma_start3A_19 = tpu.memref_squeeze %dma_start3A_18 : memref<1x3200x16xf32, #tpu.memory_space<hbm>> -> memref<3200x16xf32, #tpu.memory_space<hbm>>
      %dma_start3A_20 = arith.constant 0 : i32
      %dma_start3A_21 = tpu.memref_slice %arg2[%run_scoped3A, %mul3A_2, %dma_start3A_20] : memref<2x102400x16xf32, #tpu.memory_space<hbm>> -> memref<1x3200x16xf32, #tpu.memory_space<hbm>>
      %dma_start3A_22 = tpu.memref_squeeze %dma_start3A_21 : memref<1x3200x16xf32, #tpu.memory_space<hbm>> -> memref<3200x16xf32, #tpu.memory_space<hbm>>
      tpu.enqueue_dma source(%dma_start3A_22 : memref<3200x16xf32, #tpu.memory_space<hbm>>) target(%arg7 : memref<3200x16xf32, #tpu.memory_space<vmem>>) target_semaphore(%run_scoped3A_17 : memref<!tpu.dma_semaphore, #tpu.memory_space<semaphore_mem>>)
      %dma_wait3A = arith.constant 0 : i32
      %dma_wait3A_23 = tpu.memref_slice %arg2[%run_scoped3A, %mul3A_2, %dma_wait3A] : memref<2x102400x16xf32, #tpu.memory_space<hbm>> -> memref<1x3200x16xf32, #tpu.memory_space<hbm>>
      %dma_wait3A_24 = tpu.memref_squeeze %dma_wait3A_23 : memref<1x3200x16xf32, #tpu.memory_space<hbm>> -> memref<3200x16xf32, #tpu.memory_space<hbm>>
      %dma_wait3A_25 = arith.constant 0 : i32
      %dma_wait3A_26 = tpu.memref_slice %arg2[%run_scoped3A, %mul3A_2, %dma_wait3A_25] : memref<2x102400x16xf32, #tpu.memory_space<hbm>> -> memref<1x3200x16xf32, #tpu.memory_space<hbm>>
      %dma_wait3A_27 = tpu.memref_squeeze %dma_wait3A_26 : memref<1x3200x16xf32, #tpu.memory_space<hbm>> -> memref<3200x16xf32, #tpu.memory_space<hbm>>
      tpu.wait_dma2 semaphore(%run_scoped3A_17 : memref<!tpu.dma_semaphore, #tpu.memory_space<semaphore_mem>>) src(%dma_wait3A_27 : memref<3200x16xf32, #tpu.memory_space<hbm>>) dst(%arg7 : memref<3200x16xf32, #tpu.memory_space<vmem>>)
      tpu.yield
    }) : () -> ()
    %run_scoped3A_3 = arith.constant 1 : i32
    "tpu.region"() ({
      %run_scoped3A_17 = tpu.sem_alloc : memref<!tpu.dma_semaphore, #tpu.memory_space<semaphore_mem>>
      %dma_start3A = arith.constant 0 : i32
      %dma_start3A_18 = tpu.memref_slice %arg2[%run_scoped3A_3, %mul3A_2, %dma_start3A] : memref<2x102400x16xf32, #tpu.memory_space<hbm>> -> memref<1x3200x16xf32, #tpu.memory_space<hbm>>
      %dma_start3A_19 = tpu.memref_squeeze %dma_start3A_18 : memref<1x3200x16xf32, #tpu.memory_space<hbm>> -> memref<3200x16xf32, #tpu.memory_space<hbm>>
      %dma_start3A_20 = arith.constant 0 : i32
      %dma_start3A_21 = tpu.memref_slice %arg2[%run_scoped3A_3, %mul3A_2, %dma_start3A_20] : memref<2x102400x16xf32, #tpu.memory_space<hbm>> -> memref<1x3200x16xf32, #tpu.memory_space<hbm>>
      %dma_start3A_22 = tpu.memref_squeeze %dma_start3A_21 : memref<1x3200x16xf32, #tpu.memory_space<hbm>> -> memref<3200x16xf32, #tpu.memory_space<hbm>>
      tpu.enqueue_dma source(%dma_start3A_22 : memref<3200x16xf32, #tpu.memory_space<hbm>>) target(%arg8 : memref<3200x16xf32, #tpu.memory_space<vmem>>) target_semaphore(%run_scoped3A_17 : memref<!tpu.dma_semaphore, #tpu.memory_space<semaphore_mem>>)
      %dma_wait3A = arith.constant 0 : i32
      %dma_wait3A_23 = tpu.memref_slice %arg2[%run_scoped3A_3, %mul3A_2, %dma_wait3A] : memref<2x102400x16xf32, #tpu.memory_space<hbm>> -> memref<1x3200x16xf32, #tpu.memory_space<hbm>>
      %dma_wait3A_24 = tpu.memref_squeeze %dma_wait3A_23 : memref<1x3200x16xf32, #tpu.memory_space<hbm>> -> memref<3200x16xf32, #tpu.memory_space<hbm>>
      %dma_wait3A_25 = arith.constant 0 : i32
      %dma_wait3A_26 = tpu.memref_slice %arg2[%run_scoped3A_3, %mul3A_2, %dma_wait3A_25] : memref<2x102400x16xf32, #tpu.memory_space<hbm>> -> memref<1x3200x16xf32, #tpu.memory_space<hbm>>
      %dma_wait3A_27 = tpu.memref_squeeze %dma_wait3A_26 : memref<1x3200x16xf32, #tpu.memory_space<hbm>> -> memref<3200x16xf32, #tpu.memory_space<hbm>>
      tpu.wait_dma2 semaphore(%run_scoped3A_17 : memref<!tpu.dma_semaphore, #tpu.memory_space<semaphore_mem>>) src(%dma_wait3A_27 : memref<3200x16xf32, #tpu.memory_space<hbm>>) dst(%arg8 : memref<3200x16xf32, #tpu.memory_space<vmem>>)
      tpu.yield
    }) : () -> ()
    %run_scoped3A_4 = arith.constant 0 : i32
    "tpu.region"() ({
      %run_scoped3A_17 = tpu.sem_alloc : memref<!tpu.dma_semaphore, #tpu.memory_space<semaphore_mem>>
      %dma_start3A = tpu.memref_slice %arg3[%run_scoped3A_4, %mul3A_2] : memref<2x102400xf32, #tpu.memory_space<hbm>> -> memref<1x3200xf32, #tpu.memory_space<hbm>>
      %dma_start3A_18 = tpu.memref_squeeze %dma_start3A : memref<1x3200xf32, #tpu.memory_space<hbm>> -> memref<3200xf32, #tpu.memory_space<hbm>>
      %dma_start3A_19 = tpu.memref_slice %arg3[%run_scoped3A_4, %mul3A_2] : memref<2x102400xf32, #tpu.memory_space<hbm>> -> memref<1x3200xf32, #tpu.memory_space<hbm>>
      %dma_start3A_20 = tpu.memref_squeeze %dma_start3A_19 : memref<1x3200xf32, #tpu.memory_space<hbm>> -> memref<3200xf32, #tpu.memory_space<hbm>>
      tpu.enqueue_dma source(%dma_start3A_20 : memref<3200xf32, #tpu.memory_space<hbm>>) target(%arg9 : memref<3200xf32, #tpu.memory_space<vmem>>) target_semaphore(%run_scoped3A_17 : memref<!tpu.dma_semaphore, #tpu.memory_space<semaphore_mem>>)
      %dma_wait3A = tpu.memref_slice %arg3[%run_scoped3A_4, %mul3A_2] : memref<2x102400xf32, #tpu.memory_space<hbm>> -> memref<1x3200xf32, #tpu.memory_space<hbm>>
      %dma_wait3A_21 = tpu.memref_squeeze %dma_wait3A : memref<1x3200xf32, #tpu.memory_space<hbm>> -> memref<3200xf32, #tpu.memory_space<hbm>>
      %dma_wait3A_22 = tpu.memref_slice %arg3[%run_scoped3A_4, %mul3A_2] : memref<2x102400xf32, #tpu.memory_space<hbm>> -> memref<1x3200xf32, #tpu.memory_space<hbm>>
      %dma_wait3A_23 = tpu.memref_squeeze %dma_wait3A_22 : memref<1x3200xf32, #tpu.memory_space<hbm>> -> memref<3200xf32, #tpu.memory_space<hbm>>
      tpu.wait_dma2 semaphore(%run_scoped3A_17 : memref<!tpu.dma_semaphore, #tpu.memory_space<semaphore_mem>>) src(%dma_wait3A_23 : memref<3200xf32, #tpu.memory_space<hbm>>) dst(%arg9 : memref<3200xf32, #tpu.memory_space<vmem>>)
      tpu.yield
    }) : () -> ()
    %run_scoped3A_5 = arith.constant 1 : i32
    "tpu.region"() ({
      %run_scoped3A_17 = tpu.sem_alloc : memref<!tpu.dma_semaphore, #tpu.memory_space<semaphore_mem>>
      %dma_start3A = tpu.memref_slice %arg3[%run_scoped3A_5, %mul3A_2] : memref<2x102400xf32, #tpu.memory_space<hbm>> -> memref<1x3200xf32, #tpu.memory_space<hbm>>
      %dma_start3A_18 = tpu.memref_squeeze %dma_start3A : memref<1x3200xf32, #tpu.memory_space<hbm>> -> memref<3200xf32, #tpu.memory_space<hbm>>
      %dma_start3A_19 = tpu.memref_slice %arg3[%run_scoped3A_5, %mul3A_2] : memref<2x102400xf32, #tpu.memory_space<hbm>> -> memref<1x3200xf32, #tpu.memory_space<hbm>>
      %dma_start3A_20 = tpu.memref_squeeze %dma_start3A_19 : memref<1x3200xf32, #tpu.memory_space<hbm>> -> memref<3200xf32, #tpu.memory_space<hbm>>
      tpu.enqueue_dma source(%dma_start3A_20 : memref<3200xf32, #tpu.memory_space<hbm>>) target(%arg10 : memref<3200xf32, #tpu.memory_space<vmem>>) target_semaphore(%run_scoped3A_17 : memref<!tpu.dma_semaphore, #tpu.memory_space<semaphore_mem>>)
      %dma_wait3A = tpu.memref_slice %arg3[%run_scoped3A_5, %mul3A_2] : memref<2x102400xf32, #tpu.memory_space<hbm>> -> memref<1x3200xf32, #tpu.memory_space<hbm>>
      %dma_wait3A_21 = tpu.memref_squeeze %dma_wait3A : memref<1x3200xf32, #tpu.memory_space<hbm>> -> memref<3200xf32, #tpu.memory_space<hbm>>
      %dma_wait3A_22 = tpu.memref_slice %arg3[%run_scoped3A_5, %mul3A_2] : memref<2x102400xf32, #tpu.memory_space<hbm>> -> memref<1x3200xf32, #tpu.memory_space<hbm>>
      %dma_wait3A_23 = tpu.memref_squeeze %dma_wait3A_22 : memref<1x3200xf32, #tpu.memory_space<hbm>> -> memref<3200xf32, #tpu.memory_space<hbm>>
      tpu.wait_dma2 semaphore(%run_scoped3A_17 : memref<!tpu.dma_semaphore, #tpu.memory_space<semaphore_mem>>) src(%dma_wait3A_23 : memref<3200xf32, #tpu.memory_space<hbm>>) dst(%arg10 : memref<3200xf32, #tpu.memory_space<vmem>>)
      tpu.yield
    }) : () -> ()
    %run_scoped3A_6 = arith.constant 0 : i32
    "tpu.region"() ({
      %run_scoped3A_17 = tpu.sem_alloc : memref<!tpu.dma_semaphore, #tpu.memory_space<semaphore_mem>>
      %dma_start3A = tpu.memref_slice %arg4[%run_scoped3A_6, %mul3A_2] : memref<2x102400xf32, #tpu.memory_space<hbm>> -> memref<1x3200xf32, #tpu.memory_space<hbm>>
      %dma_start3A_18 = tpu.memref_squeeze %dma_start3A : memref<1x3200xf32, #tpu.memory_space<hbm>> -> memref<3200xf32, #tpu.memory_space<hbm>>
      %dma_start3A_19 = tpu.memref_slice %arg4[%run_scoped3A_6, %mul3A_2] : memref<2x102400xf32, #tpu.memory_space<hbm>> -> memref<1x3200xf32, #tpu.memory_space<hbm>>
      %dma_start3A_20 = tpu.memref_squeeze %dma_start3A_19 : memref<1x3200xf32, #tpu.memory_space<hbm>> -> memref<3200xf32, #tpu.memory_space<hbm>>
      tpu.enqueue_dma source(%dma_start3A_20 : memref<3200xf32, #tpu.memory_space<hbm>>) target(%arg11 : memref<3200xf32, #tpu.memory_space<vmem>>) target_semaphore(%run_scoped3A_17 : memref<!tpu.dma_semaphore, #tpu.memory_space<semaphore_mem>>)
      %dma_wait3A = tpu.memref_slice %arg4[%run_scoped3A_6, %mul3A_2] : memref<2x102400xf32, #tpu.memory_space<hbm>> -> memref<1x3200xf32, #tpu.memory_space<hbm>>
      %dma_wait3A_21 = tpu.memref_squeeze %dma_wait3A : memref<1x3200xf32, #tpu.memory_space<hbm>> -> memref<3200xf32, #tpu.memory_space<hbm>>
      %dma_wait3A_22 = tpu.memref_slice %arg4[%run_scoped3A_6, %mul3A_2] : memref<2x102400xf32, #tpu.memory_space<hbm>> -> memref<1x3200xf32, #tpu.memory_space<hbm>>
      %dma_wait3A_23 = tpu.memref_squeeze %dma_wait3A_22 : memref<1x3200xf32, #tpu.memory_space<hbm>> -> memref<3200xf32, #tpu.memory_space<hbm>>
      tpu.wait_dma2 semaphore(%run_scoped3A_17 : memref<!tpu.dma_semaphore, #tpu.memory_space<semaphore_mem>>) src(%dma_wait3A_23 : memref<3200xf32, #tpu.memory_space<hbm>>) dst(%arg11 : memref<3200xf32, #tpu.memory_space<vmem>>)
      tpu.yield
    }) : () -> ()
    %run_scoped3A_7 = arith.constant 1 : i32
    "tpu.region"() ({
      %run_scoped3A_17 = tpu.sem_alloc : memref<!tpu.dma_semaphore, #tpu.memory_space<semaphore_mem>>
      %dma_start3A = tpu.memref_slice %arg4[%run_scoped3A_7, %mul3A_2] : memref<2x102400xf32, #tpu.memory_space<hbm>> -> memref<1x3200xf32, #tpu.memory_space<hbm>>
      %dma_start3A_18 = tpu.memref_squeeze %dma_start3A : memref<1x3200xf32, #tpu.memory_space<hbm>> -> memref<3200xf32, #tpu.memory_space<hbm>>
      %dma_start3A_19 = tpu.memref_slice %arg4[%run_scoped3A_7, %mul3A_2] : memref<2x102400xf32, #tpu.memory_space<hbm>> -> memref<1x3200xf32, #tpu.memory_space<hbm>>
      %dma_start3A_20 = tpu.memref_squeeze %dma_start3A_19 : memref<1x3200xf32, #tpu.memory_space<hbm>> -> memref<3200xf32, #tpu.memory_space<hbm>>
      tpu.enqueue_dma source(%dma_start3A_20 : memref<3200xf32, #tpu.memory_space<hbm>>) target(%arg12 : memref<3200xf32, #tpu.memory_space<vmem>>) target_semaphore(%run_scoped3A_17 : memref<!tpu.dma_semaphore, #tpu.memory_space<semaphore_mem>>)
      %dma_wait3A = tpu.memref_slice %arg4[%run_scoped3A_7, %mul3A_2] : memref<2x102400xf32, #tpu.memory_space<hbm>> -> memref<1x3200xf32, #tpu.memory_space<hbm>>
      %dma_wait3A_21 = tpu.memref_squeeze %dma_wait3A : memref<1x3200xf32, #tpu.memory_space<hbm>> -> memref<3200xf32, #tpu.memory_space<hbm>>
      %dma_wait3A_22 = tpu.memref_slice %arg4[%run_scoped3A_7, %mul3A_2] : memref<2x102400xf32, #tpu.memory_space<hbm>> -> memref<1x3200xf32, #tpu.memory_space<hbm>>
      %dma_wait3A_23 = tpu.memref_squeeze %dma_wait3A_22 : memref<1x3200xf32, #tpu.memory_space<hbm>> -> memref<3200xf32, #tpu.memory_space<hbm>>
      tpu.wait_dma2 semaphore(%run_scoped3A_17 : memref<!tpu.dma_semaphore, #tpu.memory_space<semaphore_mem>>) src(%dma_wait3A_23 : memref<3200xf32, #tpu.memory_space<hbm>>) dst(%arg12 : memref<3200xf32, #tpu.memory_space<vmem>>)
      tpu.yield
    }) : () -> ()
    %scan3A = arith.constant 0 : i32
    %scan3A_8 = arith.constant 200 : i32
    %scan3A_9 = arith.addi %scan3A, %scan3A_8 : i32
    %scan3A_10 = arith.constant 1 : i32
    scf.for %scan3A_17 = %scan3A to %scan3A_9 step %scan3A_10  : i32 {
      %mul3A_18 = arith.constant 1 : i32
      %mul3A_19 = arith.muli %scan3A_17, %mul3A_18 : i32
      %add3A_20 = arith.constant 0 : i32
      %add3A_21 = arith.addi %add3A_20, %mul3A_19 : i32
      %mul3A_22 = arith.constant 16 : i32
      %mul3A_23 = arith.muli %add3A_21, %mul3A_22 : i32
      %get3A = arith.index_cast %mul3A_23 : i32 to index
      %get3A_24 = tpu.vector_load %arg9[%get3A] {strides = array<i32>} : memref<3200xf32, #tpu.memory_space<vmem>>, vector<16xf32>,
      %get3A_25 = vector.shape_cast %get3A_24 : vector<16xf32> to vector<16xf32>
      %get3A_26 = arith.index_cast %mul3A_23 : i32 to index
      %get3A_27 = tpu.vector_load %arg10[%get3A_26] {strides = array<i32>} : memref<3200xf32, #tpu.memory_space<vmem>>, vector<16xf32>,
      %get3A_28 = vector.shape_cast %get3A_27 : vector<16xf32> to vector<16xf32>
      %add3A_29 = arith.addf %get3A_25, %get3A_28 : vector<16xf32>
      %max3A = arith.constant 1.000000e+00 : f32
      %max3A_30 = vector.broadcast %max3A : f32 to vector<16xf32>
      %max3A_31 = arith.maximumf %add3A_29, %max3A_30 : vector<16xf32>
      %bitcast_convert_type3A = tpu.bitcast %max3A_31 : vector<16xf32> -> vector<16xi32>
      %shift_right_logical3A = arith.constant 1 : i32
      %shift_right_logical3A_32 = vector.broadcast %shift_right_logical3A : i32 to vector<16xi32>
      %shift_right_logical3A_33 = arith.shrui %bitcast_convert_type3A, %shift_right_logical3A_32 : vector<16xi32>
      %sub3A = arith.constant 1597463007 : i32
      %sub3A_34 = vector.broadcast %sub3A : i32 to vector<16xi32>
      %sub3A_35 = arith.subi %sub3A_34, %shift_right_logical3A_33 : vector<16xi32>
      %bitcast_convert_type3A_36 = tpu.bitcast %sub3A_35 : vector<16xi32> -> vector<16xf32>
      %mul3A_37 = arith.constant 5.000000e-01 : f32
      %mul3A_38 = vector.broadcast %mul3A_37 : f32 to vector<16xf32>
      %mul3A_39 = arith.mulf %mul3A_38, %max3A_31 : vector<16xf32>
      %mul3A_40 = arith.mulf %mul3A_39, %bitcast_convert_type3A_36 : vector<16xf32>
      %mul3A_41 = arith.mulf %mul3A_40, %bitcast_convert_type3A_36 : vector<16xf32>
      %sub3A_42 = arith.constant 1.500000e+00 : f32
      %sub3A_43 = vector.broadcast %sub3A_42 : f32 to vector<16xf32>
      %sub3A_44 = arith.subf %sub3A_43, %mul3A_41 : vector<16xf32>
      %mul3A_45 = arith.mulf %bitcast_convert_type3A_36, %sub3A_44 : vector<16xf32>
      %mul3A_46 = arith.constant 5.000000e-01 : f32
      %mul3A_47 = vector.broadcast %mul3A_46 : f32 to vector<16xf32>
      %mul3A_48 = arith.mulf %mul3A_47, %max3A_31 : vector<16xf32>
      %mul3A_49 = arith.mulf %mul3A_48, %mul3A_45 : vector<16xf32>
      %mul3A_50 = arith.mulf %mul3A_49, %mul3A_45 : vector<16xf32>
      %sub3A_51 = arith.constant 1.500000e+00 : f32
      %sub3A_52 = vector.broadcast %sub3A_51 : f32 to vector<16xf32>
      %sub3A_53 = arith.subf %sub3A_52, %mul3A_50 : vector<16xf32>
      %mul3A_54 = arith.mulf %mul3A_45, %sub3A_53 : vector<16xf32>
      %mul3A_55 = arith.constant 5.000000e-01 : f32
      %mul3A_56 = vector.broadcast %mul3A_55 : f32 to vector<16xf32>
      %mul3A_57 = arith.mulf %mul3A_56, %max3A_31 : vector<16xf32>
      %mul3A_58 = arith.mulf %mul3A_57, %mul3A_54 : vector<16xf32>
      %mul3A_59 = arith.mulf %mul3A_58, %mul3A_54 : vector<16xf32>
      %sub3A_60 = arith.constant 1.500000e+00 : f32
      %sub3A_61 = vector.broadcast %sub3A_60 : f32 to vector<16xf32>
      %sub3A_62 = arith.subf %sub3A_61, %mul3A_59 : vector<16xf32>
      %mul3A_63 = arith.mulf %mul3A_54, %sub3A_62 : vector<16xf32>
      %mul3A_64 = arith.constant 5.000000e-01 : f32
      %mul3A_65 = vector.broadcast %mul3A_64 : f32 to vector<16xf32>
      %mul3A_66 = arith.mulf %mul3A_65, %max3A_31 : vector<16xf32>
      %mul3A_67 = arith.mulf %mul3A_66, %mul3A_63 : vector<16xf32>
      %mul3A_68 = arith.mulf %mul3A_67, %mul3A_63 : vector<16xf32>
      %sub3A_69 = arith.constant 1.500000e+00 : f32
      %sub3A_70 = vector.broadcast %sub3A_69 : f32 to vector<16xf32>
      %sub3A_71 = arith.subf %sub3A_70, %mul3A_68 : vector<16xf32>
      %mul3A_72 = arith.mulf %mul3A_63, %sub3A_71 : vector<16xf32>
      %swap3A = arith.index_cast %mul3A_23 : i32 to index
      %swap3A_73 = tpu.vector_load %arg9[%swap3A] {strides = array<i32>} : memref<3200xf32, #tpu.memory_space<vmem>>, vector<16xf32>,
      %swap3A_74 = vector.shape_cast %swap3A_73 : vector<16xf32> to vector<16xf32>
      %swap3A_75 = vector.shape_cast %mul3A_72 : vector<16xf32> to vector<16xf32>
      tpu.vector_store %arg9[%swap3A], %swap3A_75 {strides = array<i32>} : memref<3200xf32, #tpu.memory_space<vmem>>, vector<16xf32>,
      %get3A_76 = arith.index_cast %mul3A_23 : i32 to index
      %get3A_77 = tpu.vector_load %arg11[%get3A_76] {strides = array<i32>} : memref<3200xf32, #tpu.memory_space<vmem>>, vector<16xf32>,
      %get3A_78 = vector.shape_cast %get3A_77 : vector<16xf32> to vector<16xf32>
      %get3A_79 = arith.index_cast %mul3A_23 : i32 to index
      %get3A_80 = tpu.vector_load %arg12[%get3A_79] {strides = array<i32>} : memref<3200xf32, #tpu.memory_space<vmem>>, vector<16xf32>,
      %get3A_81 = vector.shape_cast %get3A_80 : vector<16xf32> to vector<16xf32>
      %add3A_82 = arith.addf %get3A_78, %get3A_81 : vector<16xf32>
      %max3A_83 = arith.constant 1.000000e+00 : f32
      %max3A_84 = vector.broadcast %max3A_83 : f32 to vector<16xf32>
      %max3A_85 = arith.maximumf %add3A_82, %max3A_84 : vector<16xf32>
      %bitcast_convert_type3A_86 = tpu.bitcast %max3A_85 : vector<16xf32> -> vector<16xi32>
      %shift_right_logical3A_87 = arith.constant 1 : i32
      %shift_right_logical3A_88 = vector.broadcast %shift_right_logical3A_87 : i32 to vector<16xi32>
      %shift_right_logical3A_89 = arith.shrui %bitcast_convert_type3A_86, %shift_right_logical3A_88 : vector<16xi32>
      %sub3A_90 = arith.constant 1597463007 : i32
      %sub3A_91 = vector.broadcast %sub3A_90 : i32 to vector<16xi32>
      %sub3A_92 = arith.subi %sub3A_91, %shift_right_logical3A_89 : vector<16xi32>
      %bitcast_convert_type3A_93 = tpu.bitcast %sub3A_92 : vector<16xi32> -> vector<16xf32>
      %mul3A_94 = arith.constant 5.000000e-01 : f32
      %mul3A_95 = vector.broadcast %mul3A_94 : f32 to vector<16xf32>
      %mul3A_96 = arith.mulf %mul3A_95, %max3A_85 : vector<16xf32>
      %mul3A_97 = arith.mulf %mul3A_96, %bitcast_convert_type3A_93 : vector<16xf32>
      %mul3A_98 = arith.mulf %mul3A_97, %bitcast_convert_type3A_93 : vector<16xf32>
      %sub3A_99 = arith.constant 1.500000e+00 : f32
      %sub3A_100 = vector.broadcast %sub3A_99 : f32 to vector<16xf32>
      %sub3A_101 = arith.subf %sub3A_100, %mul3A_98 : vector<16xf32>
      %mul3A_102 = arith.mulf %bitcast_convert_type3A_93, %sub3A_101 : vector<16xf32>
      %mul3A_103 = arith.constant 5.000000e-01 : f32
      %mul3A_104 = vector.broadcast %mul3A_103 : f32 to vector<16xf32>
      %mul3A_105 = arith.mulf %mul3A_104, %max3A_85 : vector<16xf32>
      %mul3A_106 = arith.mulf %mul3A_105, %mul3A_102 : vector<16xf32>
      %mul3A_107 = arith.mulf %mul3A_106, %mul3A_102 : vector<16xf32>
      %sub3A_108 = arith.constant 1.500000e+00 : f32
      %sub3A_109 = vector.broadcast %sub3A_108 : f32 to vector<16xf32>
      %sub3A_110 = arith.subf %sub3A_109, %mul3A_107 : vector<16xf32>
      %mul3A_111 = arith.mulf %mul3A_102, %sub3A_110 : vector<16xf32>
      %mul3A_112 = arith.constant 5.000000e-01 : f32
      %mul3A_113 = vector.broadcast %mul3A_112 : f32 to vector<16xf32>
      %mul3A_114 = arith.mulf %mul3A_113, %max3A_85 : vector<16xf32>
      %mul3A_115 = arith.mulf %mul3A_114, %mul3A_111 : vector<16xf32>
      %mul3A_116 = arith.mulf %mul3A_115, %mul3A_111 : vector<16xf32>
      %sub3A_117 = arith.constant 1.500000e+00 : f32
      %sub3A_118 = vector.broadcast %sub3A_117 : f32 to vector<16xf32>
      %sub3A_119 = arith.subf %sub3A_118, %mul3A_116 : vector<16xf32>
      %mul3A_120 = arith.mulf %mul3A_111, %sub3A_119 : vector<16xf32>
      %mul3A_121 = arith.constant 5.000000e-01 : f32
      %mul3A_122 = vector.broadcast %mul3A_121 : f32 to vector<16xf32>
      %mul3A_123 = arith.mulf %mul3A_122, %max3A_85 : vector<16xf32>
      %mul3A_124 = arith.mulf %mul3A_123, %mul3A_120 : vector<16xf32>
      %mul3A_125 = arith.mulf %mul3A_124, %mul3A_120 : vector<16xf32>
      %sub3A_126 = arith.constant 1.500000e+00 : f32
      %sub3A_127 = vector.broadcast %sub3A_126 : f32 to vector<16xf32>
      %sub3A_128 = arith.subf %sub3A_127, %mul3A_125 : vector<16xf32>
      %mul3A_129 = arith.mulf %mul3A_120, %sub3A_128 : vector<16xf32>
      %swap3A_130 = arith.index_cast %mul3A_23 : i32 to index
      %swap3A_131 = tpu.vector_load %arg11[%swap3A_130] {strides = array<i32>} : memref<3200xf32, #tpu.memory_space<vmem>>, vector<16xf32>,
      %swap3A_132 = vector.shape_cast %swap3A_131 : vector<16xf32> to vector<16xf32>
      %swap3A_133 = vector.shape_cast %mul3A_129 : vector<16xf32> to vector<16xf32>
      tpu.vector_store %arg11[%swap3A_130], %swap3A_133 {strides = array<i32>} : memref<3200xf32, #tpu.memory_space<vmem>>, vector<16xf32>,
    }
    %scan3A_11 = arith.constant 200 : i32
    %scan3A_12 = arith.constant 0 : i32
    %scan3A_13 = arith.constant 200 : i32
    %scan3A_14 = arith.addi %scan3A_12, %scan3A_13 : i32
    %scan3A_15 = arith.constant 1 : i32
    scf.for %scan3A_17 = %scan3A_12 to %scan3A_14 step %scan3A_15  : i32 {
      %mul3A_18 = arith.constant 1 : i32
      %mul3A_19 = arith.muli %scan3A_17, %mul3A_18 : i32
      %add3A_20 = arith.constant 0 : i32
      %add3A_21 = arith.addi %add3A_20, %mul3A_19 : i32
      %mul3A_22 = arith.constant 16 : i32
      %mul3A_23 = arith.muli %add3A_21, %mul3A_22 : i32
      %get3A = arith.index_cast %mul3A_23 : i32 to index
      %get3A_24 = tpu.vector_load %arg9[%get3A] {strides = array<i32>} : memref<3200xf32, #tpu.memory_space<vmem>>, vector<16xf32>,
      %get3A_25 = vector.shape_cast %get3A_24 : vector<16xf32> to vector<16xf32>
      %mul3A_26 = arith.constant 16 : i32
      %mul3A_27 = arith.muli %add3A_21, %mul3A_26 : i32
      %add3A_28 = arith.constant 0 : i32
      %add3A_29 = arith.addi %mul3A_27, %add3A_28 : i32
      %get3A_30 = arith.index_cast %add3A_29 : i32 to index
      %get3A_31 = arith.constant 0 : index
      %get3A_32 = tpu.vector_load %arg7[%get3A_30, %get3A_31] {strides = array<i32>} : memref<3200x16xf32, #tpu.memory_space<vmem>>, vector<1x16xf32>,
      %get3A_33 = vector.shape_cast %get3A_32 : vector<1x16xf32> to vector<16xf32>
      %get3A_34 = arith.index_cast %add3A_29 : i32 to index
      %get3A_35 = arith.constant 0 : index
      %get3A_36 = tpu.vector_load %arg8[%get3A_34, %get3A_35] {strides = array<i32>} : memref<3200x16xf32, #tpu.memory_space<vmem>>, vector<1x16xf32>,
      %get3A_37 = vector.shape_cast %get3A_36 : vector<1x16xf32> to vector<16xf32>
      %add3A_38 = arith.addf %get3A_33, %get3A_37 : vector<16xf32>
      %slice3A = vector.extract_strided_slice %get3A_25 {offsets = [0], sizes = [1], strides = [1]} : vector<16xf32> to vector<1xf32>
      %squeeze3A = vector.extract %slice3A[0] : f32 from vector<1xf32>
      %mul3A_39 = vector.broadcast %squeeze3A : f32 to vector<16xf32>
      %mul3A_40 = arith.mulf %add3A_38, %mul3A_39 : vector<16xf32>
      %swap3A = arith.index_cast %add3A_29 : i32 to index
      %swap3A_41 = arith.constant 0 : index
      %swap3A_42 = tpu.vector_load %arg7[%swap3A, %swap3A_41] {strides = array<i32>} : memref<3200x16xf32, #tpu.memory_space<vmem>>, vector<1x16xf32>,
      %swap3A_43 = vector.shape_cast %swap3A_42 : vector<1x16xf32> to vector<16xf32>
      %swap3A_44 = vector.shape_cast %mul3A_40 : vector<16xf32> to vector<1x16xf32>
      tpu.vector_store %arg7[%swap3A, %swap3A_41], %swap3A_44 {strides = array<i32>} : memref<3200x16xf32, #tpu.memory_space<vmem>>, vector<1x16xf32>,
      %mul3A_45 = arith.constant 16 : i32
      %mul3A_46 = arith.muli %add3A_21, %mul3A_45 : i32
      %add3A_47 = arith.constant 1 : i32
      %add3A_48 = arith.addi %mul3A_46, %add3A_47 : i32
      %get3A_49 = arith.index_cast %add3A_48 : i32 to index
      %get3A_50 = arith.constant 0 : index
      %get3A_51 = tpu.vector_load %arg7[%get3A_49, %get3A_50] {strides = array<i32>} : memref<3200x16xf32, #tpu.memory_space<vmem>>, vector<1x16xf32>,
      %get3A_52 = vector.shape_cast %get3A_51 : vector<1x16xf32> to vector<16xf32>
      %get3A_53 = arith.index_cast %add3A_48 : i32 to index
      %get3A_54 = arith.constant 0 : index
      %get3A_55 = tpu.vector_load %arg8[%get3A_53, %get3A_54] {strides = array<i32>} : memref<3200x16xf32, #tpu.memory_space<vmem>>, vector<1x16xf32>,
      %get3A_56 = vector.shape_cast %get3A_55 : vector<1x16xf32> to vector<16xf32>
      %add3A_57 = arith.addf %get3A_52, %get3A_56 : vector<16xf32>
      %slice3A_58 = vector.extract_strided_slice %get3A_25 {offsets = [1], sizes = [1], strides = [1]} : vector<16xf32> to vector<1xf32>
      %squeeze3A_59 = vector.extract %slice3A_58[0] : f32 from vector<1xf32>
      %mul3A_60 = vector.broadcast %squeeze3A_59 : f32 to vector<16xf32>
      %mul3A_61 = arith.mulf %add3A_57, %mul3A_60 : vector<16xf32>
      %swap3A_62 = arith.index_cast %add3A_48 : i32 to index
      %swap3A_63 = arith.constant 0 : index
      %swap3A_64 = tpu.vector_load %arg7[%swap3A_62, %swap3A_63] {strides = array<i32>} : memref<3200x16xf32, #tpu.memory_space<vmem>>, vector<1x16xf32>,
      %swap3A_65 = vector.shape_cast %swap3A_64 : vector<1x16xf32> to vector<16xf32>
      %swap3A_66 = vector.shape_cast %mul3A_61 : vector<16xf32> to vector<1x16xf32>
      tpu.vector_store %arg7[%swap3A_62, %swap3A_63], %swap3A_66 {strides = array<i32>} : memref<3200x16xf32, #tpu.memory_space<vmem>>, vector<1x16xf32>,
      %mul3A_67 = arith.constant 16 : i32
      %mul3A_68 = arith.muli %add3A_21, %mul3A_67 : i32
      %add3A_69 = arith.constant 2 : i32
      %add3A_70 = arith.addi %mul3A_68, %add3A_69 : i32
      %get3A_71 = arith.index_cast %add3A_70 : i32 to index
      %get3A_72 = arith.constant 0 : index
      %get3A_73 = tpu.vector_load %arg7[%get3A_71, %get3A_72] {strides = array<i32>} : memref<3200x16xf32, #tpu.memory_space<vmem>>, vector<1x16xf32>,
      %get3A_74 = vector.shape_cast %get3A_73 : vector<1x16xf32> to vector<16xf32>
      %get3A_75 = arith.index_cast %add3A_70 : i32 to index
      %get3A_76 = arith.constant 0 : index
      %get3A_77 = tpu.vector_load %arg8[%get3A_75, %get3A_76] {strides = array<i32>} : memref<3200x16xf32, #tpu.memory_space<vmem>>, vector<1x16xf32>,
      %get3A_78 = vector.shape_cast %get3A_77 : vector<1x16xf32> to vector<16xf32>
      %add3A_79 = arith.addf %get3A_74, %get3A_78 : vector<16xf32>
      %slice3A_80 = vector.extract_strided_slice %get3A_25 {offsets = [2], sizes = [1], strides = [1]} : vector<16xf32> to vector<1xf32>
      %squeeze3A_81 = vector.extract %slice3A_80[0] : f32 from vector<1xf32>
      %mul3A_82 = vector.broadcast %squeeze3A_81 : f32 to vector<16xf32>
      %mul3A_83 = arith.mulf %add3A_79, %mul3A_82 : vector<16xf32>
      %swap3A_84 = arith.index_cast %add3A_70 : i32 to index
      %swap3A_85 = arith.constant 0 : index
      %swap3A_86 = tpu.vector_load %arg7[%swap3A_84, %swap3A_85] {strides = array<i32>} : memref<3200x16xf32, #tpu.memory_space<vmem>>, vector<1x16xf32>,
      %swap3A_87 = vector.shape_cast %swap3A_86 : vector<1x16xf32> to vector<16xf32>
      %swap3A_88 = vector.shape_cast %mul3A_83 : vector<16xf32> to vector<1x16xf32>
      tpu.vector_store %arg7[%swap3A_84, %swap3A_85], %swap3A_88 {strides = array<i32>} : memref<3200x16xf32, #tpu.memory_space<vmem>>, vector<1x16xf32>,
      %mul3A_89 = arith.constant 16 : i32
      %mul3A_90 = arith.muli %add3A_21, %mul3A_89 : i32
      %add3A_91 = arith.constant 3 : i32
      %add3A_92 = arith.addi %mul3A_90, %add3A_91 : i32
      %get3A_93 = arith.index_cast %add3A_92 : i32 to index
      %get3A_94 = arith.constant 0 : index
      %get3A_95 = tpu.vector_load %arg7[%get3A_93, %get3A_94] {strides = array<i32>} : memref<3200x16xf32, #tpu.memory_space<vmem>>, vector<1x16xf32>,
      %get3A_96 = vector.shape_cast %get3A_95 : vector<1x16xf32> to vector<16xf32>
      %get3A_97 = arith.index_cast %add3A_92 : i32 to index
      %get3A_98 = arith.constant 0 : index
      %get3A_99 = tpu.vector_load %arg8[%get3A_97, %get3A_98] {strides = array<i32>} : memref<3200x16xf32, #tpu.memory_space<vmem>>, vector<1x16xf32>,
      %get3A_100 = vector.shape_cast %get3A_99 : vector<1x16xf32> to vector<16xf32>
      %add3A_101 = arith.addf %get3A_96, %get3A_100 : vector<16xf32>
      %slice3A_102 = vector.extract_strided_slice %get3A_25 {offsets = [3], sizes = [1], strides = [1]} : vector<16xf32> to vector<1xf32>
      %squeeze3A_103 = vector.extract %slice3A_102[0] : f32 from vector<1xf32>
      %mul3A_104 = vector.broadcast %squeeze3A_103 : f32 to vector<16xf32>
      %mul3A_105 = arith.mulf %add3A_101, %mul3A_104 : vector<16xf32>
      %swap3A_106 = arith.index_cast %add3A_92 : i32 to index
      %swap3A_107 = arith.constant 0 : index
      %swap3A_108 = tpu.vector_load %arg7[%swap3A_106, %swap3A_107] {strides = array<i32>} : memref<3200x16xf32, #tpu.memory_space<vmem>>, vector<1x16xf32>,
      %swap3A_109 = vector.shape_cast %swap3A_108 : vector<1x16xf32> to vector<16xf32>
      %swap3A_110 = vector.shape_cast %mul3A_105 : vector<16xf32> to vector<1x16xf32>
      tpu.vector_store %arg7[%swap3A_106, %swap3A_107], %swap3A_110 {strides = array<i32>} : memref<3200x16xf32, #tpu.memory_space<vmem>>, vector<1x16xf32>,
      %mul3A_111 = arith.constant 16 : i32
      %mul3A_112 = arith.muli %add3A_21, %mul3A_111 : i32
      %add3A_113 = arith.constant 4 : i32
      %add3A_114 = arith.addi %mul3A_112, %add3A_113 : i32
      %get3A_115 = arith.index_cast %add3A_114 : i32 to index
      %get3A_116 = arith.constant 0 : index
      %get3A_117 = tpu.vector_load %arg7[%get3A_115, %get3A_116] {strides = array<i32>} : memref<3200x16xf32, #tpu.memory_space<vmem>>, vector<1x16xf32>,
      %get3A_118 = vector.shape_cast %get3A_117 : vector<1x16xf32> to vector<16xf32>
      %get3A_119 = arith.index_cast %add3A_114 : i32 to index
      %get3A_120 = arith.constant 0 : index
      %get3A_121 = tpu.vector_load %arg8[%get3A_119, %get3A_120] {strides = array<i32>} : memref<3200x16xf32, #tpu.memory_space<vmem>>, vector<1x16xf32>,
      %get3A_122 = vector.shape_cast %get3A_121 : vector<1x16xf32> to vector<16xf32>
      %add3A_123 = arith.addf %get3A_118, %get3A_122 : vector<16xf32>
      %slice3A_124 = vector.extract_strided_slice %get3A_25 {offsets = [4], sizes = [1], strides = [1]} : vector<16xf32> to vector<1xf32>
      %squeeze3A_125 = vector.extract %slice3A_124[0] : f32 from vector<1xf32>
      %mul3A_126 = vector.broadcast %squeeze3A_125 : f32 to vector<16xf32>
      %mul3A_127 = arith.mulf %add3A_123, %mul3A_126 : vector<16xf32>
      %swap3A_128 = arith.index_cast %add3A_114 : i32 to index
      %swap3A_129 = arith.constant 0 : index
      %swap3A_130 = tpu.vector_load %arg7[%swap3A_128, %swap3A_129] {strides = array<i32>} : memref<3200x16xf32, #tpu.memory_space<vmem>>, vector<1x16xf32>,
      %swap3A_131 = vector.shape_cast %swap3A_130 : vector<1x16xf32> to vector<16xf32>
      %swap3A_132 = vector.shape_cast %mul3A_127 : vector<16xf32> to vector<1x16xf32>
      tpu.vector_store %arg7[%swap3A_128, %swap3A_129], %swap3A_132 {strides = array<i32>} : memref<3200x16xf32, #tpu.memory_space<vmem>>, vector<1x16xf32>,
      %mul3A_133 = arith.constant 16 : i32
      %mul3A_134 = arith.muli %add3A_21, %mul3A_133 : i32
      %add3A_135 = arith.constant 5 : i32
      %add3A_136 = arith.addi %mul3A_134, %add3A_135 : i32
      %get3A_137 = arith.index_cast %add3A_136 : i32 to index
      %get3A_138 = arith.constant 0 : index
      %get3A_139 = tpu.vector_load %arg7[%get3A_137, %get3A_138] {strides = array<i32>} : memref<3200x16xf32, #tpu.memory_space<vmem>>, vector<1x16xf32>,
      %get3A_140 = vector.shape_cast %get3A_139 : vector<1x16xf32> to vector<16xf32>
      %get3A_141 = arith.index_cast %add3A_136 : i32 to index
      %get3A_142 = arith.constant 0 : index
      %get3A_143 = tpu.vector_load %arg8[%get3A_141, %get3A_142] {strides = array<i32>} : memref<3200x16xf32, #tpu.memory_space<vmem>>, vector<1x16xf32>,
      %get3A_144 = vector.shape_cast %get3A_143 : vector<1x16xf32> to vector<16xf32>
      %add3A_145 = arith.addf %get3A_140, %get3A_144 : vector<16xf32>
      %slice3A_146 = vector.extract_strided_slice %get3A_25 {offsets = [5], sizes = [1], strides = [1]} : vector<16xf32> to vector<1xf32>
      %squeeze3A_147 = vector.extract %slice3A_146[0] : f32 from vector<1xf32>
      %mul3A_148 = vector.broadcast %squeeze3A_147 : f32 to vector<16xf32>
      %mul3A_149 = arith.mulf %add3A_145, %mul3A_148 : vector<16xf32>
      %swap3A_150 = arith.index_cast %add3A_136 : i32 to index
      %swap3A_151 = arith.constant 0 : index
      %swap3A_152 = tpu.vector_load %arg7[%swap3A_150, %swap3A_151] {strides = array<i32>} : memref<3200x16xf32, #tpu.memory_space<vmem>>, vector<1x16xf32>,
      %swap3A_153 = vector.shape_cast %swap3A_152 : vector<1x16xf32> to vector<16xf32>
      %swap3A_154 = vector.shape_cast %mul3A_149 : vector<16xf32> to vector<1x16xf32>
      tpu.vector_store %arg7[%swap3A_150, %swap3A_151], %swap3A_154 {strides = array<i32>} : memref<3200x16xf32, #tpu.memory_space<vmem>>, vector<1x16xf32>,
      %mul3A_155 = arith.constant 16 : i32
      %mul3A_156 = arith.muli %add3A_21, %mul3A_155 : i32
      %add3A_157 = arith.constant 6 : i32
      %add3A_158 = arith.addi %mul3A_156, %add3A_157 : i32
      %get3A_159 = arith.index_cast %add3A_158 : i32 to index
      %get3A_160 = arith.constant 0 : index
      %get3A_161 = tpu.vector_load %arg7[%get3A_159, %get3A_160] {strides = array<i32>} : memref<3200x16xf32, #tpu.memory_space<vmem>>, vector<1x16xf32>,
      %get3A_162 = vector.shape_cast %get3A_161 : vector<1x16xf32> to vector<16xf32>
      %get3A_163 = arith.index_cast %add3A_158 : i32 to index
      %get3A_164 = arith.constant 0 : index
      %get3A_165 = tpu.vector_load %arg8[%get3A_163, %get3A_164] {strides = array<i32>} : memref<3200x16xf32, #tpu.memory_space<vmem>>, vector<1x16xf32>,
      %get3A_166 = vector.shape_cast %get3A_165 : vector<1x16xf32> to vector<16xf32>
      %add3A_167 = arith.addf %get3A_162, %get3A_166 : vector<16xf32>
      %slice3A_168 = vector.extract_strided_slice %get3A_25 {offsets = [6], sizes = [1], strides = [1]} : vector<16xf32> to vector<1xf32>
      %squeeze3A_169 = vector.extract %slice3A_168[0] : f32 from vector<1xf32>
      %mul3A_170 = vector.broadcast %squeeze3A_169 : f32 to vector<16xf32>
      %mul3A_171 = arith.mulf %add3A_167, %mul3A_170 : vector<16xf32>
      %swap3A_172 = arith.index_cast %add3A_158 : i32 to index
      %swap3A_173 = arith.constant 0 : index
      %swap3A_174 = tpu.vector_load %arg7[%swap3A_172, %swap3A_173] {strides = array<i32>} : memref<3200x16xf32, #tpu.memory_space<vmem>>, vector<1x16xf32>,
      %swap3A_175 = vector.shape_cast %swap3A_174 : vector<1x16xf32> to vector<16xf32>
      %swap3A_176 = vector.shape_cast %mul3A_171 : vector<16xf32> to vector<1x16xf32>
      tpu.vector_store %arg7[%swap3A_172, %swap3A_173], %swap3A_176 {strides = array<i32>} : memref<3200x16xf32, #tpu.memory_space<vmem>>, vector<1x16xf32>,
      %mul3A_177 = arith.constant 16 : i32
      %mul3A_178 = arith.muli %add3A_21, %mul3A_177 : i32
      %add3A_179 = arith.constant 7 : i32
      %add3A_180 = arith.addi %mul3A_178, %add3A_179 : i32
      %get3A_181 = arith.index_cast %add3A_180 : i32 to index
      %get3A_182 = arith.constant 0 : index
      %get3A_183 = tpu.vector_load %arg7[%get3A_181, %get3A_182] {strides = array<i32>} : memref<3200x16xf32, #tpu.memory_space<vmem>>, vector<1x16xf32>,
      %get3A_184 = vector.shape_cast %get3A_183 : vector<1x16xf32> to vector<16xf32>
      %get3A_185 = arith.index_cast %add3A_180 : i32 to index
      %get3A_186 = arith.constant 0 : index
      %get3A_187 = tpu.vector_load %arg8[%get3A_185, %get3A_186] {strides = array<i32>} : memref<3200x16xf32, #tpu.memory_space<vmem>>, vector<1x16xf32>,
      %get3A_188 = vector.shape_cast %get3A_187 : vector<1x16xf32> to vector<16xf32>
      %add3A_189 = arith.addf %get3A_184, %get3A_188 : vector<16xf32>
      %slice3A_190 = vector.extract_strided_slice %get3A_25 {offsets = [7], sizes = [1], strides = [1]} : vector<16xf32> to vector<1xf32>
      %squeeze3A_191 = vector.extract %slice3A_190[0] : f32 from vector<1xf32>
      %mul3A_192 = vector.broadcast %squeeze3A_191 : f32 to vector<16xf32>
      %mul3A_193 = arith.mulf %add3A_189, %mul3A_192 : vector<16xf32>
      %swap3A_194 = arith.index_cast %add3A_180 : i32 to index
      %swap3A_195 = arith.constant 0 : index
      %swap3A_196 = tpu.vector_load %arg7[%swap3A_194, %swap3A_195] {strides = array<i32>} : memref<3200x16xf32, #tpu.memory_space<vmem>>, vector<1x16xf32>,
      %swap3A_197 = vector.shape_cast %swap3A_196 : vector<1x16xf32> to vector<16xf32>
      %swap3A_198 = vector.shape_cast %mul3A_193 : vector<16xf32> to vector<1x16xf32>
      tpu.vector_store %arg7[%swap3A_194, %swap3A_195], %swap3A_198 {strides = array<i32>} : memref<3200x16xf32, #tpu.memory_space<vmem>>, vector<1x16xf32>,
      %mul3A_199 = arith.constant 16 : i32
      %mul3A_200 = arith.muli %add3A_21, %mul3A_199 : i32
      %add3A_201 = arith.constant 8 : i32
      %add3A_202 = arith.addi %mul3A_200, %add3A_201 : i32
      %get3A_203 = arith.index_cast %add3A_202 : i32 to index
      %get3A_204 = arith.constant 0 : index
      %get3A_205 = tpu.vector_load %arg7[%get3A_203, %get3A_204] {strides = array<i32>} : memref<3200x16xf32, #tpu.memory_space<vmem>>, vector<1x16xf32>,
      %get3A_206 = vector.shape_cast %get3A_205 : vector<1x16xf32> to vector<16xf32>
      %get3A_207 = arith.index_cast %add3A_202 : i32 to index
      %get3A_208 = arith.constant 0 : index
      %get3A_209 = tpu.vector_load %arg8[%get3A_207, %get3A_208] {strides = array<i32>} : memref<3200x16xf32, #tpu.memory_space<vmem>>, vector<1x16xf32>,
      %get3A_210 = vector.shape_cast %get3A_209 : vector<1x16xf32> to vector<16xf32>
      %add3A_211 = arith.addf %get3A_206, %get3A_210 : vector<16xf32>
      %slice3A_212 = vector.extract_strided_slice %get3A_25 {offsets = [8], sizes = [1], strides = [1]} : vector<16xf32> to vector<1xf32>
      %squeeze3A_213 = vector.extract %slice3A_212[0] : f32 from vector<1xf32>
      %mul3A_214 = vector.broadcast %squeeze3A_213 : f32 to vector<16xf32>
      %mul3A_215 = arith.mulf %add3A_211, %mul3A_214 : vector<16xf32>
      %swap3A_216 = arith.index_cast %add3A_202 : i32 to index
      %swap3A_217 = arith.constant 0 : index
      %swap3A_218 = tpu.vector_load %arg7[%swap3A_216, %swap3A_217] {strides = array<i32>} : memref<3200x16xf32, #tpu.memory_space<vmem>>, vector<1x16xf32>,
      %swap3A_219 = vector.shape_cast %swap3A_218 : vector<1x16xf32> to vector<16xf32>
      %swap3A_220 = vector.shape_cast %mul3A_215 : vector<16xf32> to vector<1x16xf32>
      tpu.vector_store %arg7[%swap3A_216, %swap3A_217], %swap3A_220 {strides = array<i32>} : memref<3200x16xf32, #tpu.memory_space<vmem>>, vector<1x16xf32>,
      %mul3A_221 = arith.constant 16 : i32
      %mul3A_222 = arith.muli %add3A_21, %mul3A_221 : i32
      %add3A_223 = arith.constant 9 : i32
      %add3A_224 = arith.addi %mul3A_222, %add3A_223 : i32
      %get3A_225 = arith.index_cast %add3A_224 : i32 to index
      %get3A_226 = arith.constant 0 : index
      %get3A_227 = tpu.vector_load %arg7[%get3A_225, %get3A_226] {strides = array<i32>} : memref<3200x16xf32, #tpu.memory_space<vmem>>, vector<1x16xf32>,
      %get3A_228 = vector.shape_cast %get3A_227 : vector<1x16xf32> to vector<16xf32>
      %get3A_229 = arith.index_cast %add3A_224 : i32 to index
      %get3A_230 = arith.constant 0 : index
      %get3A_231 = tpu.vector_load %arg8[%get3A_229, %get3A_230] {strides = array<i32>} : memref<3200x16xf32, #tpu.memory_space<vmem>>, vector<1x16xf32>,
      %get3A_232 = vector.shape_cast %get3A_231 : vector<1x16xf32> to vector<16xf32>
      %add3A_233 = arith.addf %get3A_228, %get3A_232 : vector<16xf32>
      %slice3A_234 = vector.extract_strided_slice %get3A_25 {offsets = [9], sizes = [1], strides = [1]} : vector<16xf32> to vector<1xf32>
      %squeeze3A_235 = vector.extract %slice3A_234[0] : f32 from vector<1xf32>
      %mul3A_236 = vector.broadcast %squeeze3A_235 : f32 to vector<16xf32>
      %mul3A_237 = arith.mulf %add3A_233, %mul3A_236 : vector<16xf32>
      %swap3A_238 = arith.index_cast %add3A_224 : i32 to index
      %swap3A_239 = arith.constant 0 : index
      %swap3A_240 = tpu.vector_load %arg7[%swap3A_238, %swap3A_239] {strides = array<i32>} : memref<3200x16xf32, #tpu.memory_space<vmem>>, vector<1x16xf32>,
      %swap3A_241 = vector.shape_cast %swap3A_240 : vector<1x16xf32> to vector<16xf32>
      %swap3A_242 = vector.shape_cast %mul3A_237 : vector<16xf32> to vector<1x16xf32>
      tpu.vector_store %arg7[%swap3A_238, %swap3A_239], %swap3A_242 {strides = array<i32>} : memref<3200x16xf32, #tpu.memory_space<vmem>>, vector<1x16xf32>,
      %mul3A_243 = arith.constant 16 : i32
      %mul3A_244 = arith.muli %add3A_21, %mul3A_243 : i32
      %add3A_245 = arith.constant 10 : i32
      %add3A_246 = arith.addi %mul3A_244, %add3A_245 : i32
      %get3A_247 = arith.index_cast %add3A_246 : i32 to index
      %get3A_248 = arith.constant 0 : index
      %get3A_249 = tpu.vector_load %arg7[%get3A_247, %get3A_248] {strides = array<i32>} : memref<3200x16xf32, #tpu.memory_space<vmem>>, vector<1x16xf32>,
      %get3A_250 = vector.shape_cast %get3A_249 : vector<1x16xf32> to vector<16xf32>
      %get3A_251 = arith.index_cast %add3A_246 : i32 to index
      %get3A_252 = arith.constant 0 : index
      %get3A_253 = tpu.vector_load %arg8[%get3A_251, %get3A_252] {strides = array<i32>} : memref<3200x16xf32, #tpu.memory_space<vmem>>, vector<1x16xf32>,
      %get3A_254 = vector.shape_cast %get3A_253 : vector<1x16xf32> to vector<16xf32>
      %add3A_255 = arith.addf %get3A_250, %get3A_254 : vector<16xf32>
      %slice3A_256 = vector.extract_strided_slice %get3A_25 {offsets = [10], sizes = [1], strides = [1]} : vector<16xf32> to vector<1xf32>
      %squeeze3A_257 = vector.extract %slice3A_256[0] : f32 from vector<1xf32>
      %mul3A_258 = vector.broadcast %squeeze3A_257 : f32 to vector<16xf32>
      %mul3A_259 = arith.mulf %add3A_255, %mul3A_258 : vector<16xf32>
      %swap3A_260 = arith.index_cast %add3A_246 : i32 to index
      %swap3A_261 = arith.constant 0 : index
      %swap3A_262 = tpu.vector_load %arg7[%swap3A_260, %swap3A_261] {strides = array<i32>} : memref<3200x16xf32, #tpu.memory_space<vmem>>, vector<1x16xf32>,
      %swap3A_263 = vector.shape_cast %swap3A_262 : vector<1x16xf32> to vector<16xf32>
      %swap3A_264 = vector.shape_cast %mul3A_259 : vector<16xf32> to vector<1x16xf32>
      tpu.vector_store %arg7[%swap3A_260, %swap3A_261], %swap3A_264 {strides = array<i32>} : memref<3200x16xf32, #tpu.memory_space<vmem>>, vector<1x16xf32>,
      %mul3A_265 = arith.constant 16 : i32
      %mul3A_266 = arith.muli %add3A_21, %mul3A_265 : i32
      %add3A_267 = arith.constant 11 : i32
      %add3A_268 = arith.addi %mul3A_266, %add3A_267 : i32
      %get3A_269 = arith.index_cast %add3A_268 : i32 to index
      %get3A_270 = arith.constant 0 : index
      %get3A_271 = tpu.vector_load %arg7[%get3A_269, %get3A_270] {strides = array<i32>} : memref<3200x16xf32, #tpu.memory_space<vmem>>, vector<1x16xf32>,
      %get3A_272 = vector.shape_cast %get3A_271 : vector<1x16xf32> to vector<16xf32>
      %get3A_273 = arith.index_cast %add3A_268 : i32 to index
      %get3A_274 = arith.constant 0 : index
      %get3A_275 = tpu.vector_load %arg8[%get3A_273, %get3A_274] {strides = array<i32>} : memref<3200x16xf32, #tpu.memory_space<vmem>>, vector<1x16xf32>,
      %get3A_276 = vector.shape_cast %get3A_275 : vector<1x16xf32> to vector<16xf32>
      %add3A_277 = arith.addf %get3A_272, %get3A_276 : vector<16xf32>
      %slice3A_278 = vector.extract_strided_slice %get3A_25 {offsets = [11], sizes = [1], strides = [1]} : vector<16xf32> to vector<1xf32>
      %squeeze3A_279 = vector.extract %slice3A_278[0] : f32 from vector<1xf32>
      %mul3A_280 = vector.broadcast %squeeze3A_279 : f32 to vector<16xf32>
      %mul3A_281 = arith.mulf %add3A_277, %mul3A_280 : vector<16xf32>
      %swap3A_282 = arith.index_cast %add3A_268 : i32 to index
      %swap3A_283 = arith.constant 0 : index
      %swap3A_284 = tpu.vector_load %arg7[%swap3A_282, %swap3A_283] {strides = array<i32>} : memref<3200x16xf32, #tpu.memory_space<vmem>>, vector<1x16xf32>,
      %swap3A_285 = vector.shape_cast %swap3A_284 : vector<1x16xf32> to vector<16xf32>
      %swap3A_286 = vector.shape_cast %mul3A_281 : vector<16xf32> to vector<1x16xf32>
      tpu.vector_store %arg7[%swap3A_282, %swap3A_283], %swap3A_286 {strides = array<i32>} : memref<3200x16xf32, #tpu.memory_space<vmem>>, vector<1x16xf32>,
      %mul3A_287 = arith.constant 16 : i32
      %mul3A_288 = arith.muli %add3A_21, %mul3A_287 : i32
      %add3A_289 = arith.constant 12 : i32
      %add3A_290 = arith.addi %mul3A_288, %add3A_289 : i32
      %get3A_291 = arith.index_cast %add3A_290 : i32 to index
      %get3A_292 = arith.constant 0 : index
      %get3A_293 = tpu.vector_load %arg7[%get3A_291, %get3A_292] {strides = array<i32>} : memref<3200x16xf32, #tpu.memory_space<vmem>>, vector<1x16xf32>,
      %get3A_294 = vector.shape_cast %get3A_293 : vector<1x16xf32> to vector<16xf32>
      %get3A_295 = arith.index_cast %add3A_290 : i32 to index
      %get3A_296 = arith.constant 0 : index
      %get3A_297 = tpu.vector_load %arg8[%get3A_295, %get3A_296] {strides = array<i32>} : memref<3200x16xf32, #tpu.memory_space<vmem>>, vector<1x16xf32>,
      %get3A_298 = vector.shape_cast %get3A_297 : vector<1x16xf32> to vector<16xf32>
      %add3A_299 = arith.addf %get3A_294, %get3A_298 : vector<16xf32>
      %slice3A_300 = vector.extract_strided_slice %get3A_25 {offsets = [12], sizes = [1], strides = [1]} : vector<16xf32> to vector<1xf32>
      %squeeze3A_301 = vector.extract %slice3A_300[0] : f32 from vector<1xf32>
      %mul3A_302 = vector.broadcast %squeeze3A_301 : f32 to vector<16xf32>
      %mul3A_303 = arith.mulf %add3A_299, %mul3A_302 : vector<16xf32>
      %swap3A_304 = arith.index_cast %add3A_290 : i32 to index
      %swap3A_305 = arith.constant 0 : index
      %swap3A_306 = tpu.vector_load %arg7[%swap3A_304, %swap3A_305] {strides = array<i32>} : memref<3200x16xf32, #tpu.memory_space<vmem>>, vector<1x16xf32>,
      %swap3A_307 = vector.shape_cast %swap3A_306 : vector<1x16xf32> to vector<16xf32>
      %swap3A_308 = vector.shape_cast %mul3A_303 : vector<16xf32> to vector<1x16xf32>
      tpu.vector_store %arg7[%swap3A_304, %swap3A_305], %swap3A_308 {strides = array<i32>} : memref<3200x16xf32, #tpu.memory_space<vmem>>, vector<1x16xf32>,
      %mul3A_309 = arith.constant 16 : i32
      %mul3A_310 = arith.muli %add3A_21, %mul3A_309 : i32
      %add3A_311 = arith.constant 13 : i32
      %add3A_312 = arith.addi %mul3A_310, %add3A_311 : i32
      %get3A_313 = arith.index_cast %add3A_312 : i32 to index
      %get3A_314 = arith.constant 0 : index
      %get3A_315 = tpu.vector_load %arg7[%get3A_313, %get3A_314] {strides = array<i32>} : memref<3200x16xf32, #tpu.memory_space<vmem>>, vector<1x16xf32>,
      %get3A_316 = vector.shape_cast %get3A_315 : vector<1x16xf32> to vector<16xf32>
      %get3A_317 = arith.index_cast %add3A_312 : i32 to index
      %get3A_318 = arith.constant 0 : index
      %get3A_319 = tpu.vector_load %arg8[%get3A_317, %get3A_318] {strides = array<i32>} : memref<3200x16xf32, #tpu.memory_space<vmem>>, vector<1x16xf32>,
      %get3A_320 = vector.shape_cast %get3A_319 : vector<1x16xf32> to vector<16xf32>
      %add3A_321 = arith.addf %get3A_316, %get3A_320 : vector<16xf32>
      %slice3A_322 = vector.extract_strided_slice %get3A_25 {offsets = [13], sizes = [1], strides = [1]} : vector<16xf32> to vector<1xf32>
      %squeeze3A_323 = vector.extract %slice3A_322[0] : f32 from vector<1xf32>
      %mul3A_324 = vector.broadcast %squeeze3A_323 : f32 to vector<16xf32>
      %mul3A_325 = arith.mulf %add3A_321, %mul3A_324 : vector<16xf32>
      %swap3A_326 = arith.index_cast %add3A_312 : i32 to index
      %swap3A_327 = arith.constant 0 : index
      %swap3A_328 = tpu.vector_load %arg7[%swap3A_326, %swap3A_327] {strides = array<i32>} : memref<3200x16xf32, #tpu.memory_space<vmem>>, vector<1x16xf32>,
      %swap3A_329 = vector.shape_cast %swap3A_328 : vector<1x16xf32> to vector<16xf32>
      %swap3A_330 = vector.shape_cast %mul3A_325 : vector<16xf32> to vector<1x16xf32>
      tpu.vector_store %arg7[%swap3A_326, %swap3A_327], %swap3A_330 {strides = array<i32>} : memref<3200x16xf32, #tpu.memory_space<vmem>>, vector<1x16xf32>,
      %mul3A_331 = arith.constant 16 : i32
      %mul3A_332 = arith.muli %add3A_21, %mul3A_331 : i32
      %add3A_333 = arith.constant 14 : i32
      %add3A_334 = arith.addi %mul3A_332, %add3A_333 : i32
      %get3A_335 = arith.index_cast %add3A_334 : i32 to index
      %get3A_336 = arith.constant 0 : index
      %get3A_337 = tpu.vector_load %arg7[%get3A_335, %get3A_336] {strides = array<i32>} : memref<3200x16xf32, #tpu.memory_space<vmem>>, vector<1x16xf32>,
      %get3A_338 = vector.shape_cast %get3A_337 : vector<1x16xf32> to vector<16xf32>
      %get3A_339 = arith.index_cast %add3A_334 : i32 to index
      %get3A_340 = arith.constant 0 : index
      %get3A_341 = tpu.vector_load %arg8[%get3A_339, %get3A_340] {strides = array<i32>} : memref<3200x16xf32, #tpu.memory_space<vmem>>, vector<1x16xf32>,
      %get3A_342 = vector.shape_cast %get3A_341 : vector<1x16xf32> to vector<16xf32>
      %add3A_343 = arith.addf %get3A_338, %get3A_342 : vector<16xf32>
      %slice3A_344 = vector.extract_strided_slice %get3A_25 {offsets = [14], sizes = [1], strides = [1]} : vector<16xf32> to vector<1xf32>
      %squeeze3A_345 = vector.extract %slice3A_344[0] : f32 from vector<1xf32>
      %mul3A_346 = vector.broadcast %squeeze3A_345 : f32 to vector<16xf32>
      %mul3A_347 = arith.mulf %add3A_343, %mul3A_346 : vector<16xf32>
      %swap3A_348 = arith.index_cast %add3A_334 : i32 to index
      %swap3A_349 = arith.constant 0 : index
      %swap3A_350 = tpu.vector_load %arg7[%swap3A_348, %swap3A_349] {strides = array<i32>} : memref<3200x16xf32, #tpu.memory_space<vmem>>, vector<1x16xf32>,
      %swap3A_351 = vector.shape_cast %swap3A_350 : vector<1x16xf32> to vector<16xf32>
      %swap3A_352 = vector.shape_cast %mul3A_347 : vector<16xf32> to vector<1x16xf32>
      tpu.vector_store %arg7[%swap3A_348, %swap3A_349], %swap3A_352 {strides = array<i32>} : memref<3200x16xf32, #tpu.memory_space<vmem>>, vector<1x16xf32>,
      %mul3A_353 = arith.constant 16 : i32
      %mul3A_354 = arith.muli %add3A_21, %mul3A_353 : i32
      %add3A_355 = arith.constant 15 : i32
      %add3A_356 = arith.addi %mul3A_354, %add3A_355 : i32
      %get3A_357 = arith.index_cast %add3A_356 : i32 to index
      %get3A_358 = arith.constant 0 : index
      %get3A_359 = tpu.vector_load %arg7[%get3A_357, %get3A_358] {strides = array<i32>} : memref<3200x16xf32, #tpu.memory_space<vmem>>, vector<1x16xf32>,
      %get3A_360 = vector.shape_cast %get3A_359 : vector<1x16xf32> to vector<16xf32>
      %get3A_361 = arith.index_cast %add3A_356 : i32 to index
      %get3A_362 = arith.constant 0 : index
      %get3A_363 = tpu.vector_load %arg8[%get3A_361, %get3A_362] {strides = array<i32>} : memref<3200x16xf32, #tpu.memory_space<vmem>>, vector<1x16xf32>,
      %get3A_364 = vector.shape_cast %get3A_363 : vector<1x16xf32> to vector<16xf32>
      %add3A_365 = arith.addf %get3A_360, %get3A_364 : vector<16xf32>
      %slice3A_366 = vector.extract_strided_slice %get3A_25 {offsets = [15], sizes = [1], strides = [1]} : vector<16xf32> to vector<1xf32>
      %squeeze3A_367 = vector.extract %slice3A_366[0] : f32 from vector<1xf32>
      %mul3A_368 = vector.broadcast %squeeze3A_367 : f32 to vector<16xf32>
      %mul3A_369 = arith.mulf %add3A_365, %mul3A_368 : vector<16xf32>
      %swap3A_370 = arith.index_cast %add3A_356 : i32 to index
      %swap3A_371 = arith.constant 0 : index
      %swap3A_372 = tpu.vector_load %arg7[%swap3A_370, %swap3A_371] {strides = array<i32>} : memref<3200x16xf32, #tpu.memory_space<vmem>>, vector<1x16xf32>,
      %swap3A_373 = vector.shape_cast %swap3A_372 : vector<1x16xf32> to vector<16xf32>
      %swap3A_374 = vector.shape_cast %mul3A_369 : vector<16xf32> to vector<1x16xf32>
      tpu.vector_store %arg7[%swap3A_370, %swap3A_371], %swap3A_374 {strides = array<i32>} : memref<3200x16xf32, #tpu.memory_space<vmem>>, vector<1x16xf32>,
    }
    %scan3A_16 = arith.constant 200 : i32
    "tpu.region"() ({
      %run_scoped3A_17 = tpu.sem_alloc : memref<!tpu.dma_semaphore, #tpu.memory_space<semaphore_mem>>
      %dma_start3A = arith.constant 0 : i32
      %dma_start3A_18 = tpu.memref_slice %arg5[%mul3A_2, %dma_start3A] : memref<102400x16xf32, #tpu.memory_space<hbm>> -> memref<3200x16xf32, #tpu.memory_space<hbm>>
      %dma_start3A_19 = arith.constant 0 : i32
      %dma_start3A_20 = tpu.memref_slice %arg5[%mul3A_2, %dma_start3A_19] : memref<102400x16xf32, #tpu.memory_space<hbm>> -> memref<3200x16xf32, #tpu.memory_space<hbm>>
      tpu.enqueue_dma source(%arg7 : memref<3200x16xf32, #tpu.memory_space<vmem>>) target(%dma_start3A_20 : memref<3200x16xf32, #tpu.memory_space<hbm>>) target_semaphore(%run_scoped3A_17 : memref<!tpu.dma_semaphore, #tpu.memory_space<semaphore_mem>>)
      %dma_wait3A = arith.constant 0 : i32
      %dma_wait3A_21 = tpu.memref_slice %arg5[%mul3A_2, %dma_wait3A] : memref<102400x16xf32, #tpu.memory_space<hbm>> -> memref<3200x16xf32, #tpu.memory_space<hbm>>
      %dma_wait3A_22 = arith.constant 0 : i32
      %dma_wait3A_23 = tpu.memref_slice %arg5[%mul3A_2, %dma_wait3A_22] : memref<102400x16xf32, #tpu.memory_space<hbm>> -> memref<3200x16xf32, #tpu.memory_space<hbm>>
      tpu.wait_dma2 semaphore(%run_scoped3A_17 : memref<!tpu.dma_semaphore, #tpu.memory_space<semaphore_mem>>) src(%arg7 : memref<3200x16xf32, #tpu.memory_space<vmem>>) dst(%dma_wait3A_23 : memref<3200x16xf32, #tpu.memory_space<hbm>>)
      tpu.yield
    }) : () -> ()
    "tpu.region"() ({
      %run_scoped3A_17 = tpu.sem_alloc : memref<!tpu.dma_semaphore, #tpu.memory_space<semaphore_mem>>
      %dma_start3A = tpu.memref_slice %arg6[%mul3A_2] : memref<102400xf32, #tpu.memory_space<hbm>> -> memref<3200xf32, #tpu.memory_space<hbm>>
      %dma_start3A_18 = tpu.memref_slice %arg6[%mul3A_2] : memref<102400xf32, #tpu.memory_space<hbm>> -> memref<3200xf32, #tpu.memory_space<hbm>>
      tpu.enqueue_dma source(%arg11 : memref<3200xf32, #tpu.memory_space<vmem>>) target(%dma_start3A_18 : memref<3200xf32, #tpu.memory_space<hbm>>) target_semaphore(%run_scoped3A_17 : memref<!tpu.dma_semaphore, #tpu.memory_space<semaphore_mem>>)
      %dma_wait3A = tpu.memref_slice %arg6[%mul3A_2] : memref<102400xf32, #tpu.memory_space<hbm>> -> memref<3200xf32, #tpu.memory_space<hbm>>
      %dma_wait3A_19 = tpu.memref_slice %arg6[%mul3A_2] : memref<102400xf32, #tpu.memory_space<hbm>> -> memref<3200xf32, #tpu.memory_space<hbm>>
      tpu.wait_dma2 semaphore(%run_scoped3A_17 : memref<!tpu.dma_semaphore, #tpu.memory_space<semaphore_mem>>) src(%arg11 : memref<3200xf32, #tpu.memory_space<vmem>>) dst(%dma_wait3A_19 : memref<3200xf32, #tpu.memory_space<hbm>>)
      tpu.yield
    }) : () -> ()
    return
  }
}

#map = affine_map<(d0, d1) -> (0, 0)>
#map1 = affine_map<(d0, d1) -> (0)>
#map2 = affine_map<(d0, d1) -> (0, 0, 0)>
module attributes {stable_mosaic.version = 14 : i64} {
  func.func @body(%arg0: i32, %arg1: i32, %arg2: memref<3200000x16xf32, #tpu.memory_space<hbm>>, %arg3: memref<3200000xi32, #tpu.memory_space<hbm>>, %arg4: memref<3200000xi32, #tpu.memory_space<hbm>>, %arg5: memref<2x102400x16xf32, #tpu.memory_space<hbm>>, %arg6: memref<2x102400xf32, #tpu.memory_space<hbm>>, %arg7: memref<2x102400xf32, #tpu.memory_space<hbm>>, %arg8: memref<102400x16xf32, #tpu.memory_space<vmem_shared>>, %arg9: memref<102400xf32, #tpu.memory_space<vmem_shared>>, %arg10: memref<102400xf32, #tpu.memory_space<vmem_shared>>, %arg11: memref<800x16xf32, #tpu.memory_space<vmem>>, %arg12: memref<800xi32, #tpu.memory_space<vmem>>, %arg13: memref<800xi32, #tpu.memory_space<vmem>>, %arg14: memref<800xf32, #tpu.memory_space<vmem>>) attributes {dimension_semantics = [#tpu.dimension_semantics<core_parallel>, #tpu.dimension_semantics<subcore_parallel>], iteration_bounds = array<i64: 2, 16>, scalar_prefetch = 0 : i64, scratch_operands = 7 : i64, tpu.core_type = #tpu.core_type<sc_vector_subcore>, window_params = [{transform_indices = #map}, {transform_indices = #map1}, {transform_indices = #map1}, {transform_indices = #map2}, {transform_indices = #map}, {transform_indices = #map}]} {
    %mul3A = arith.constant 2 : i32
    %mul3A_0 = arith.muli %arg1, %mul3A : i32
    %add3A = arith.addi %mul3A_0, %arg0 : i32
    %broadcast_in_dim3A = arith.constant 0.000000e+00 : f32
    %broadcast_in_dim3A_1 = vector.broadcast %broadcast_in_dim3A : f32 to vector<16xf32>
    %broadcast_in_dim3A_2 = arith.constant 1.000000e+00 : f32
    %broadcast_in_dim3A_3 = vector.broadcast %broadcast_in_dim3A_2 : f32 to vector<16xf32>
    %scan3A = arith.constant 0 : i32
    %scan3A_4 = arith.constant 400 : i32
    %scan3A_5 = arith.addi %scan3A, %scan3A_4 : i32
    %scan3A_6 = arith.constant 1 : i32
    scf.for %scan3A_31 = %scan3A to %scan3A_5 step %scan3A_6  : i32 {
      %mul3A_32 = arith.constant 1 : i32
      %mul3A_33 = arith.muli %scan3A_31, %mul3A_32 : i32
      %add3A_34 = arith.constant 0 : i32
      %add3A_35 = arith.addi %add3A_34, %mul3A_33 : i32
      %swap3A = arith.index_cast %add3A_35 : i32 to index
      %swap3A_36 = arith.constant 0 : index
      %swap3A_37 = tpu.vector_load %arg11[%swap3A, %swap3A_36] {strides = array<i32>} : memref<800x16xf32, #tpu.memory_space<vmem>>, vector<1x16xf32>,
      %swap3A_38 = vector.shape_cast %swap3A_37 : vector<1x16xf32> to vector<16xf32>
      %swap3A_39 = vector.shape_cast %broadcast_in_dim3A_1 : vector<16xf32> to vector<1x16xf32>
      tpu.vector_store %arg11[%swap3A, %swap3A_36], %swap3A_39 {strides = array<i32>} : memref<800x16xf32, #tpu.memory_space<vmem>>, vector<1x16xf32>,
    }
    %scan3A_7 = arith.constant 400 : i32
    %scan3A_8 = arith.constant 0 : i32
    %scan3A_9 = arith.constant 25 : i32
    %scan3A_10 = arith.addi %scan3A_8, %scan3A_9 : i32
    %scan3A_11 = arith.constant 1 : i32
    scf.for %scan3A_31 = %scan3A_8 to %scan3A_10 step %scan3A_11  : i32 {
      %mul3A_32 = arith.constant 1 : i32
      %mul3A_33 = arith.muli %scan3A_31, %mul3A_32 : i32
      %add3A_34 = arith.constant 0 : i32
      %add3A_35 = arith.addi %add3A_34, %mul3A_33 : i32
      %mul3A_36 = arith.constant 16 : i32
      %mul3A_37 = arith.muli %add3A_35, %mul3A_36 : i32
      %swap3A = arith.index_cast %mul3A_37 : i32 to index
      %swap3A_38 = tpu.vector_load %arg14[%swap3A] {strides = array<i32>} : memref<800xf32, #tpu.memory_space<vmem>>, vector<16xf32>,
      %swap3A_39 = vector.shape_cast %swap3A_38 : vector<16xf32> to vector<16xf32>
      %swap3A_40 = vector.shape_cast %broadcast_in_dim3A_1 : vector<16xf32> to vector<16xf32>
      tpu.vector_store %arg14[%swap3A], %swap3A_40 {strides = array<i32>} : memref<800xf32, #tpu.memory_space<vmem>>, vector<16xf32>,
    }
    %scan3A_12 = arith.constant 25 : i32
    %mul3A_13 = arith.constant 6400 : i32
    %mul3A_14 = arith.muli %arg1, %mul3A_13 : i32
    %scan3A_15 = arith.constant 0 : i32
    %scan3A_16 = arith.constant 16 : i32
    %scan3A_17 = arith.addi %scan3A_15, %scan3A_16 : i32
    %scan3A_18 = arith.constant 1 : i32
    scf.for %scan3A_31 = %scan3A_15 to %scan3A_17 step %scan3A_18  : i32 {
      %mul3A_32 = arith.constant 1 : i32
      %mul3A_33 = arith.muli %scan3A_31, %mul3A_32 : i32
      %add3A_34 = arith.constant 0 : i32
      %add3A_35 = arith.addi %add3A_34, %mul3A_33 : i32
      %mul3A_36 = arith.constant 400 : i32
      %mul3A_37 = arith.muli %add3A_35, %mul3A_36 : i32
      %add3A_38 = arith.addi %mul3A_14, %mul3A_37 : i32
      "tpu.region"() ({
        %run_scoped3A = tpu.sem_alloc : memref<!tpu.dma_semaphore, #tpu.memory_space<semaphore_mem>>
        %dma_start3A = arith.constant 0 : i32
        %dma_start3A_39 = arith.constant 0 : i32
        %dma_start3A_40 = tpu.memref_slice %arg11[%dma_start3A, %dma_start3A_39] : memref<800x16xf32, #tpu.memory_space<vmem>> -> memref<400x16xf32, #tpu.memory_space<vmem>>
        %dma_start3A_41 = arith.constant 0 : i32
        %dma_start3A_42 = tpu.memref_slice %arg8[%add3A_38, %dma_start3A_41] : memref<102400x16xf32, #tpu.memory_space<vmem_shared>> -> memref<400x16xf32, #tpu.memory_space<vmem_shared>>
        %dma_start3A_43 = arith.constant 0 : i32
        %dma_start3A_44 = tpu.memref_slice %arg8[%add3A_38, %dma_start3A_43] : memref<102400x16xf32, #tpu.memory_space<vmem_shared>> -> memref<400x16xf32, #tpu.memory_space<vmem_shared>>
        %dma_start3A_45 = arith.constant 0 : i32
        %dma_start3A_46 = arith.constant 0 : i32
        %dma_start3A_47 = tpu.memref_slice %arg11[%dma_start3A_45, %dma_start3A_46] : memref<800x16xf32, #tpu.memory_space<vmem>> -> memref<400x16xf32, #tpu.memory_space<vmem>>
        tpu.enqueue_dma source(%dma_start3A_47 : memref<400x16xf32, #tpu.memory_space<vmem>>) target(%dma_start3A_44 : memref<400x16xf32, #tpu.memory_space<vmem_shared>>) target_semaphore(%run_scoped3A : memref<!tpu.dma_semaphore, #tpu.memory_space<semaphore_mem>>)
        %dma_wait3A = arith.constant 0 : i32
        %dma_wait3A_48 = arith.constant 0 : i32
        %dma_wait3A_49 = tpu.memref_slice %arg11[%dma_wait3A, %dma_wait3A_48] : memref<800x16xf32, #tpu.memory_space<vmem>> -> memref<400x16xf32, #tpu.memory_space<vmem>>
        %dma_wait3A_50 = arith.constant 0 : i32
        %dma_wait3A_51 = tpu.memref_slice %arg8[%add3A_38, %dma_wait3A_50] : memref<102400x16xf32, #tpu.memory_space<vmem_shared>> -> memref<400x16xf32, #tpu.memory_space<vmem_shared>>
        %dma_wait3A_52 = arith.constant 0 : i32
        %dma_wait3A_53 = tpu.memref_slice %arg8[%add3A_38, %dma_wait3A_52] : memref<102400x16xf32, #tpu.memory_space<vmem_shared>> -> memref<400x16xf32, #tpu.memory_space<vmem_shared>>
        %dma_wait3A_54 = arith.constant 0 : i32
        %dma_wait3A_55 = arith.constant 0 : i32
        %dma_wait3A_56 = tpu.memref_slice %arg11[%dma_wait3A_54, %dma_wait3A_55] : memref<800x16xf32, #tpu.memory_space<vmem>> -> memref<400x16xf32, #tpu.memory_space<vmem>>
        tpu.wait_dma2 semaphore(%run_scoped3A : memref<!tpu.dma_semaphore, #tpu.memory_space<semaphore_mem>>) src(%dma_wait3A_56 : memref<400x16xf32, #tpu.memory_space<vmem>>) dst(%dma_wait3A_53 : memref<400x16xf32, #tpu.memory_space<vmem_shared>>)
        tpu.yield
      }) : () -> ()
      "tpu.region"() ({
        %run_scoped3A = tpu.sem_alloc : memref<!tpu.dma_semaphore, #tpu.memory_space<semaphore_mem>>
        %dma_start3A = arith.constant 0 : i32
        %dma_start3A_39 = tpu.memref_slice %arg14[%dma_start3A] : memref<800xf32, #tpu.memory_space<vmem>> -> memref<400xf32, #tpu.memory_space<vmem>>
        %dma_start3A_40 = tpu.memref_slice %arg9[%add3A_38] : memref<102400xf32, #tpu.memory_space<vmem_shared>> -> memref<400xf32, #tpu.memory_space<vmem_shared>>
        %dma_start3A_41 = tpu.memref_slice %arg9[%add3A_38] : memref<102400xf32, #tpu.memory_space<vmem_shared>> -> memref<400xf32, #tpu.memory_space<vmem_shared>>
        %dma_start3A_42 = arith.constant 0 : i32
        %dma_start3A_43 = tpu.memref_slice %arg14[%dma_start3A_42] : memref<800xf32, #tpu.memory_space<vmem>> -> memref<400xf32, #tpu.memory_space<vmem>>
        tpu.enqueue_dma source(%dma_start3A_43 : memref<400xf32, #tpu.memory_space<vmem>>) target(%dma_start3A_41 : memref<400xf32, #tpu.memory_space<vmem_shared>>) target_semaphore(%run_scoped3A : memref<!tpu.dma_semaphore, #tpu.memory_space<semaphore_mem>>)
        %dma_wait3A = arith.constant 0 : i32
        %dma_wait3A_44 = tpu.memref_slice %arg14[%dma_wait3A] : memref<800xf32, #tpu.memory_space<vmem>> -> memref<400xf32, #tpu.memory_space<vmem>>
        %dma_wait3A_45 = tpu.memref_slice %arg9[%add3A_38] : memref<102400xf32, #tpu.memory_space<vmem_shared>> -> memref<400xf32, #tpu.memory_space<vmem_shared>>
        %dma_wait3A_46 = tpu.memref_slice %arg9[%add3A_38] : memref<102400xf32, #tpu.memory_space<vmem_shared>> -> memref<400xf32, #tpu.memory_space<vmem_shared>>
        %dma_wait3A_47 = arith.constant 0 : i32
        %dma_wait3A_48 = tpu.memref_slice %arg14[%dma_wait3A_47] : memref<800xf32, #tpu.memory_space<vmem>> -> memref<400xf32, #tpu.memory_space<vmem>>
        tpu.wait_dma2 semaphore(%run_scoped3A : memref<!tpu.dma_semaphore, #tpu.memory_space<semaphore_mem>>) src(%dma_wait3A_48 : memref<400xf32, #tpu.memory_space<vmem>>) dst(%dma_wait3A_46 : memref<400xf32, #tpu.memory_space<vmem_shared>>)
        tpu.yield
      }) : () -> ()
      "tpu.region"() ({
        %run_scoped3A = tpu.sem_alloc : memref<!tpu.dma_semaphore, #tpu.memory_space<semaphore_mem>>
        %dma_start3A = arith.constant 0 : i32
        %dma_start3A_39 = tpu.memref_slice %arg14[%dma_start3A] : memref<800xf32, #tpu.memory_space<vmem>> -> memref<400xf32, #tpu.memory_space<vmem>>
        %dma_start3A_40 = tpu.memref_slice %arg10[%add3A_38] : memref<102400xf32, #tpu.memory_space<vmem_shared>> -> memref<400xf32, #tpu.memory_space<vmem_shared>>
        %dma_start3A_41 = tpu.memref_slice %arg10[%add3A_38] : memref<102400xf32, #tpu.memory_space<vmem_shared>> -> memref<400xf32, #tpu.memory_space<vmem_shared>>
        %dma_start3A_42 = arith.constant 0 : i32
        %dma_start3A_43 = tpu.memref_slice %arg14[%dma_start3A_42] : memref<800xf32, #tpu.memory_space<vmem>> -> memref<400xf32, #tpu.memory_space<vmem>>
        tpu.enqueue_dma source(%dma_start3A_43 : memref<400xf32, #tpu.memory_space<vmem>>) target(%dma_start3A_41 : memref<400xf32, #tpu.memory_space<vmem_shared>>) target_semaphore(%run_scoped3A : memref<!tpu.dma_semaphore, #tpu.memory_space<semaphore_mem>>)
        %dma_wait3A = arith.constant 0 : i32
        %dma_wait3A_44 = tpu.memref_slice %arg14[%dma_wait3A] : memref<800xf32, #tpu.memory_space<vmem>> -> memref<400xf32, #tpu.memory_space<vmem>>
        %dma_wait3A_45 = tpu.memref_slice %arg10[%add3A_38] : memref<102400xf32, #tpu.memory_space<vmem_shared>> -> memref<400xf32, #tpu.memory_space<vmem_shared>>
        %dma_wait3A_46 = tpu.memref_slice %arg10[%add3A_38] : memref<102400xf32, #tpu.memory_space<vmem_shared>> -> memref<400xf32, #tpu.memory_space<vmem_shared>>
        %dma_wait3A_47 = arith.constant 0 : i32
        %dma_wait3A_48 = tpu.memref_slice %arg14[%dma_wait3A_47] : memref<800xf32, #tpu.memory_space<vmem>> -> memref<400xf32, #tpu.memory_space<vmem>>
        tpu.wait_dma2 semaphore(%run_scoped3A : memref<!tpu.dma_semaphore, #tpu.memory_space<semaphore_mem>>) src(%dma_wait3A_48 : memref<400xf32, #tpu.memory_space<vmem>>) dst(%dma_wait3A_46 : memref<400xf32, #tpu.memory_space<vmem_shared>>)
        tpu.yield
      }) : () -> ()
    }
    %scan3A_19 = arith.constant 16 : i32
    %scan3A_20 = arith.constant 0 : i32
    %scan3A_21 = arith.constant 50 : i32
    %scan3A_22 = arith.addi %scan3A_20, %scan3A_21 : i32
    %scan3A_23 = arith.constant 1 : i32
    scf.for %scan3A_31 = %scan3A_20 to %scan3A_22 step %scan3A_23  : i32 {
      %mul3A_32 = arith.constant 1 : i32
      %mul3A_33 = arith.muli %scan3A_31, %mul3A_32 : i32
      %add3A_34 = arith.constant 0 : i32
      %add3A_35 = arith.addi %add3A_34, %mul3A_33 : i32
      %mul3A_36 = arith.constant 16 : i32
      %mul3A_37 = arith.muli %add3A_35, %mul3A_36 : i32
      %swap3A = arith.index_cast %mul3A_37 : i32 to index
      %swap3A_38 = tpu.vector_load %arg14[%swap3A] {strides = array<i32>} : memref<800xf32, #tpu.memory_space<vmem>>, vector<16xf32>,
      %swap3A_39 = vector.shape_cast %swap3A_38 : vector<16xf32> to vector<16xf32>
      %swap3A_40 = vector.shape_cast %broadcast_in_dim3A_3 : vector<16xf32> to vector<16xf32>
      tpu.vector_store %arg14[%swap3A], %swap3A_40 {strides = array<i32>} : memref<800xf32, #tpu.memory_space<vmem>>, vector<16xf32>,
    }
    %scan3A_24 = arith.constant 50 : i32
    %barrier3A = arith.constant 0 : index
    tpu.barrier barrier_id(%barrier3A)
    %scan3A_25 = arith.constant 0 : i32
    %scan3A_26 = arith.constant 125 : i32
    %scan3A_27 = arith.addi %scan3A_25, %scan3A_26 : i32
    %scan3A_28 = arith.constant 1 : i32
    scf.for %scan3A_31 = %scan3A_25 to %scan3A_27 step %scan3A_28  : i32 {
      %mul3A_32 = arith.constant 1 : i32
      %mul3A_33 = arith.muli %scan3A_31, %mul3A_32 : i32
      %add3A_34 = arith.constant 0 : i32
      %add3A_35 = arith.addi %add3A_34, %mul3A_33 : i32
      %mul3A_36 = arith.constant 100000 : i32
      %mul3A_37 = arith.muli %add3A, %mul3A_36 : i32
      %mul3A_38 = arith.constant 800 : i32
      %mul3A_39 = arith.muli %add3A_35, %mul3A_38 : i32
      %add3A_40 = arith.addi %mul3A_37, %mul3A_39 : i32
      "tpu.region"() ({
        %run_scoped3A = tpu.sem_alloc : memref<!tpu.dma_semaphore, #tpu.memory_space<semaphore_mem>>
        %dma_start3A = arith.constant 0 : i32
        %dma_start3A_41 = tpu.memref_slice %arg2[%add3A_40, %dma_start3A] : memref<3200000x16xf32, #tpu.memory_space<hbm>> -> memref<800x16xf32, #tpu.memory_space<hbm>>
        %dma_start3A_42 = arith.constant 0 : i32
        %dma_start3A_43 = tpu.memref_slice %arg2[%add3A_40, %dma_start3A_42] : memref<3200000x16xf32, #tpu.memory_space<hbm>> -> memref<800x16xf32, #tpu.memory_space<hbm>>
        tpu.enqueue_dma source(%dma_start3A_43 : memref<800x16xf32, #tpu.memory_space<hbm>>) target(%arg11 : memref<800x16xf32, #tpu.memory_space<vmem>>) target_semaphore(%run_scoped3A : memref<!tpu.dma_semaphore, #tpu.memory_space<semaphore_mem>>)
        %dma_wait3A = arith.constant 0 : i32
        %dma_wait3A_44 = tpu.memref_slice %arg2[%add3A_40, %dma_wait3A] : memref<3200000x16xf32, #tpu.memory_space<hbm>> -> memref<800x16xf32, #tpu.memory_space<hbm>>
        %dma_wait3A_45 = arith.constant 0 : i32
        %dma_wait3A_46 = tpu.memref_slice %arg2[%add3A_40, %dma_wait3A_45] : memref<3200000x16xf32, #tpu.memory_space<hbm>> -> memref<800x16xf32, #tpu.memory_space<hbm>>
        tpu.wait_dma2 semaphore(%run_scoped3A : memref<!tpu.dma_semaphore, #tpu.memory_space<semaphore_mem>>) src(%dma_wait3A_46 : memref<800x16xf32, #tpu.memory_space<hbm>>) dst(%arg11 : memref<800x16xf32, #tpu.memory_space<vmem>>)
        tpu.yield
      }) : () -> ()
      "tpu.region"() ({
        %run_scoped3A = tpu.sem_alloc : memref<!tpu.dma_semaphore, #tpu.memory_space<semaphore_mem>>
        %dma_start3A = tpu.memref_slice %arg3[%add3A_40] : memref<3200000xi32, #tpu.memory_space<hbm>> -> memref<800xi32, #tpu.memory_space<hbm>>
        %dma_start3A_41 = tpu.memref_slice %arg3[%add3A_40] : memref<3200000xi32, #tpu.memory_space<hbm>> -> memref<800xi32, #tpu.memory_space<hbm>>
        tpu.enqueue_dma source(%dma_start3A_41 : memref<800xi32, #tpu.memory_space<hbm>>) target(%arg12 : memref<800xi32, #tpu.memory_space<vmem>>) target_semaphore(%run_scoped3A : memref<!tpu.dma_semaphore, #tpu.memory_space<semaphore_mem>>)
        %dma_wait3A = tpu.memref_slice %arg3[%add3A_40] : memref<3200000xi32, #tpu.memory_space<hbm>> -> memref<800xi32, #tpu.memory_space<hbm>>
        %dma_wait3A_42 = tpu.memref_slice %arg3[%add3A_40] : memref<3200000xi32, #tpu.memory_space<hbm>> -> memref<800xi32, #tpu.memory_space<hbm>>
        tpu.wait_dma2 semaphore(%run_scoped3A : memref<!tpu.dma_semaphore, #tpu.memory_space<semaphore_mem>>) src(%dma_wait3A_42 : memref<800xi32, #tpu.memory_space<hbm>>) dst(%arg12 : memref<800xi32, #tpu.memory_space<vmem>>)
        tpu.yield
      }) : () -> ()
      "tpu.region"() ({
        %run_scoped3A = tpu.sem_alloc : memref<!tpu.dma_semaphore, #tpu.memory_space<semaphore_mem>>
        %dma_start3A = tpu.memref_slice %arg4[%add3A_40] : memref<3200000xi32, #tpu.memory_space<hbm>> -> memref<800xi32, #tpu.memory_space<hbm>>
        %dma_start3A_41 = tpu.memref_slice %arg4[%add3A_40] : memref<3200000xi32, #tpu.memory_space<hbm>> -> memref<800xi32, #tpu.memory_space<hbm>>
        tpu.enqueue_dma source(%dma_start3A_41 : memref<800xi32, #tpu.memory_space<hbm>>) target(%arg13 : memref<800xi32, #tpu.memory_space<vmem>>) target_semaphore(%run_scoped3A : memref<!tpu.dma_semaphore, #tpu.memory_space<semaphore_mem>>)
        %dma_wait3A = tpu.memref_slice %arg4[%add3A_40] : memref<3200000xi32, #tpu.memory_space<hbm>> -> memref<800xi32, #tpu.memory_space<hbm>>
        %dma_wait3A_42 = tpu.memref_slice %arg4[%add3A_40] : memref<3200000xi32, #tpu.memory_space<hbm>> -> memref<800xi32, #tpu.memory_space<hbm>>
        tpu.wait_dma2 semaphore(%run_scoped3A : memref<!tpu.dma_semaphore, #tpu.memory_space<semaphore_mem>>) src(%dma_wait3A_42 : memref<800xi32, #tpu.memory_space<hbm>>) dst(%arg13 : memref<800xi32, #tpu.memory_space<vmem>>)
        tpu.yield
      }) : () -> ()
      "tpu.region"() ({
        %run_scoped3A = tpu.sem_alloc : memref<!tpu.dma_semaphore, #tpu.memory_space<semaphore_mem>>
        %dma_start3A = arith.constant 0 : i32
        %dma_start3A_41 = arith.constant 0 : i32
        %dma_start3A_42 = tpu.memref_slice %arg8[%dma_start3A, %dma_start3A_41] : memref<102400x16xf32, #tpu.memory_space<vmem_shared>> -> memref<102400x16xf32, #tpu.memory_space<vmem_shared>>
        tpu.enqueue_indirect_dma source(%arg11 : memref<800x16xf32, #tpu.memory_space<vmem>>) target(%dma_start3A_42 : memref<102400x16xf32, #tpu.memory_space<vmem_shared>>) offsets(%arg12 : memref<800xi32, #tpu.memory_space<vmem>>) semaphore(%run_scoped3A : memref<!tpu.dma_semaphore, #tpu.memory_space<semaphore_mem>>) {add = true}
        %dma_wait3A = arith.constant 0 : i32
        %dma_wait3A_43 = arith.constant 0 : i32
        %dma_wait3A_44 = tpu.memref_slice %arg8[%dma_wait3A, %dma_wait3A_43] : memref<102400x16xf32, #tpu.memory_space<vmem_shared>> -> memref<102400x16xf32, #tpu.memory_space<vmem_shared>>
        tpu.wait_indirect_dma semaphore(%run_scoped3A : memref<!tpu.dma_semaphore, #tpu.memory_space<semaphore_mem>>) src(%arg11 : memref<800x16xf32, #tpu.memory_space<vmem>>) dst(%dma_wait3A_44 : memref<102400x16xf32, #tpu.memory_space<vmem_shared>>)
        tpu.yield
      }) : () -> ()
      "tpu.region"() ({
        %run_scoped3A = tpu.sem_alloc : memref<!tpu.dma_semaphore, #tpu.memory_space<semaphore_mem>>
        %dma_start3A = arith.constant 0 : i32
        %dma_start3A_41 = tpu.memref_slice %arg9[%dma_start3A] : memref<102400xf32, #tpu.memory_space<vmem_shared>> -> memref<102400xf32, #tpu.memory_space<vmem_shared>>
        tpu.enqueue_indirect_dma source(%arg14 : memref<800xf32, #tpu.memory_space<vmem>>) target(%dma_start3A_41 : memref<102400xf32, #tpu.memory_space<vmem_shared>>) offsets(%arg12 : memref<800xi32, #tpu.memory_space<vmem>>) semaphore(%run_scoped3A : memref<!tpu.dma_semaphore, #tpu.memory_space<semaphore_mem>>) {add = true}
        %dma_wait3A = arith.constant 0 : i32
        %dma_wait3A_42 = tpu.memref_slice %arg9[%dma_wait3A] : memref<102400xf32, #tpu.memory_space<vmem_shared>> -> memref<102400xf32, #tpu.memory_space<vmem_shared>>
        tpu.wait_indirect_dma semaphore(%run_scoped3A : memref<!tpu.dma_semaphore, #tpu.memory_space<semaphore_mem>>) src(%arg14 : memref<800xf32, #tpu.memory_space<vmem>>) dst(%dma_wait3A_42 : memref<102400xf32, #tpu.memory_space<vmem_shared>>)
        tpu.yield
      }) : () -> ()
      "tpu.region"() ({
        %run_scoped3A = tpu.sem_alloc : memref<!tpu.dma_semaphore, #tpu.memory_space<semaphore_mem>>
        %dma_start3A = arith.constant 0 : i32
        %dma_start3A_41 = tpu.memref_slice %arg10[%dma_start3A] : memref<102400xf32, #tpu.memory_space<vmem_shared>> -> memref<102400xf32, #tpu.memory_space<vmem_shared>>
        tpu.enqueue_indirect_dma source(%arg14 : memref<800xf32, #tpu.memory_space<vmem>>) target(%dma_start3A_41 : memref<102400xf32, #tpu.memory_space<vmem_shared>>) offsets(%arg13 : memref<800xi32, #tpu.memory_space<vmem>>) semaphore(%run_scoped3A : memref<!tpu.dma_semaphore, #tpu.memory_space<semaphore_mem>>) {add = true}
        %dma_wait3A = arith.constant 0 : i32
        %dma_wait3A_42 = tpu.memref_slice %arg10[%dma_wait3A] : memref<102400xf32, #tpu.memory_space<vmem_shared>> -> memref<102400xf32, #tpu.memory_space<vmem_shared>>
        tpu.wait_indirect_dma semaphore(%run_scoped3A : memref<!tpu.dma_semaphore, #tpu.memory_space<semaphore_mem>>) src(%arg14 : memref<800xf32, #tpu.memory_space<vmem>>) dst(%dma_wait3A_42 : memref<102400xf32, #tpu.memory_space<vmem_shared>>)
        tpu.yield
      }) : () -> ()
    }
    %scan3A_29 = arith.constant 125 : i32
    %barrier3A_30 = arith.constant 0 : index
    tpu.barrier barrier_id(%barrier3A_30)
    "tpu.region"() ({
      %run_scoped3A = tpu.sem_alloc : memref<!tpu.dma_semaphore, #tpu.memory_space<semaphore_mem>>
      %dma_start3A = arith.constant 0 : i32
      %dma_start3A_31 = tpu.memref_slice %arg5[%arg0, %mul3A_14, %dma_start3A] : memref<2x102400x16xf32, #tpu.memory_space<hbm>> -> memref<1x6400x16xf32, #tpu.memory_space<hbm>>
      %dma_start3A_32 = tpu.memref_squeeze %dma_start3A_31 : memref<1x6400x16xf32, #tpu.memory_space<hbm>> -> memref<6400x16xf32, #tpu.memory_space<hbm>>
      %dma_start3A_33 = arith.constant 0 : i32
      %dma_start3A_34 = tpu.memref_slice %arg8[%mul3A_14, %dma_start3A_33] : memref<102400x16xf32, #tpu.memory_space<vmem_shared>> -> memref<6400x16xf32, #tpu.memory_space<vmem_shared>>
      tpu.enqueue_dma source(%dma_start3A_34 : memref<6400x16xf32, #tpu.memory_space<vmem_shared>>) target(%dma_start3A_32 : memref<6400x16xf32, #tpu.memory_space<hbm>>) target_semaphore(%run_scoped3A : memref<!tpu.dma_semaphore, #tpu.memory_space<semaphore_mem>>)
      %dma_wait3A = arith.constant 0 : i32
      %dma_wait3A_35 = tpu.memref_slice %arg5[%arg0, %mul3A_14, %dma_wait3A] : memref<2x102400x16xf32, #tpu.memory_space<hbm>> -> memref<1x6400x16xf32, #tpu.memory_space<hbm>>
      %dma_wait3A_36 = tpu.memref_squeeze %dma_wait3A_35 : memref<1x6400x16xf32, #tpu.memory_space<hbm>> -> memref<6400x16xf32, #tpu.memory_space<hbm>>
      %dma_wait3A_37 = arith.constant 0 : i32
      %dma_wait3A_38 = tpu.memref_slice %arg8[%mul3A_14, %dma_wait3A_37] : memref<102400x16xf32, #tpu.memory_space<vmem_shared>> -> memref<6400x16xf32, #tpu.memory_space<vmem_shared>>
      tpu.wait_dma2 semaphore(%run_scoped3A : memref<!tpu.dma_semaphore, #tpu.memory_space<semaphore_mem>>) src(%dma_wait3A_38 : memref<6400x16xf32, #tpu.memory_space<vmem_shared>>) dst(%dma_wait3A_36 : memref<6400x16xf32, #tpu.memory_space<hbm>>)
      tpu.yield
    }) : () -> ()
    "tpu.region"() ({
      %run_scoped3A = tpu.sem_alloc : memref<!tpu.dma_semaphore, #tpu.memory_space<semaphore_mem>>
      %dma_start3A = tpu.memref_slice %arg6[%arg0, %mul3A_14] : memref<2x102400xf32, #tpu.memory_space<hbm>> -> memref<1x6400xf32, #tpu.memory_space<hbm>>
      %dma_start3A_31 = tpu.memref_squeeze %dma_start3A : memref<1x6400xf32, #tpu.memory_space<hbm>> -> memref<6400xf32, #tpu.memory_space<hbm>>
      %dma_start3A_32 = tpu.memref_slice %arg9[%mul3A_14] : memref<102400xf32, #tpu.memory_space<vmem_shared>> -> memref<6400xf32, #tpu.memory_space<vmem_shared>>
      tpu.enqueue_dma source(%dma_start3A_32 : memref<6400xf32, #tpu.memory_space<vmem_shared>>) target(%dma_start3A_31 : memref<6400xf32, #tpu.memory_space<hbm>>) target_semaphore(%run_scoped3A : memref<!tpu.dma_semaphore, #tpu.memory_space<semaphore_mem>>)
      %dma_wait3A = tpu.memref_slice %arg6[%arg0, %mul3A_14] : memref<2x102400xf32, #tpu.memory_space<hbm>> -> memref<1x6400xf32, #tpu.memory_space<hbm>>
      %dma_wait3A_33 = tpu.memref_squeeze %dma_wait3A : memref<1x6400xf32, #tpu.memory_space<hbm>> -> memref<6400xf32, #tpu.memory_space<hbm>>
      %dma_wait3A_34 = tpu.memref_slice %arg9[%mul3A_14] : memref<102400xf32, #tpu.memory_space<vmem_shared>> -> memref<6400xf32, #tpu.memory_space<vmem_shared>>
      tpu.wait_dma2 semaphore(%run_scoped3A : memref<!tpu.dma_semaphore, #tpu.memory_space<semaphore_mem>>) src(%dma_wait3A_34 : memref<6400xf32, #tpu.memory_space<vmem_shared>>) dst(%dma_wait3A_33 : memref<6400xf32, #tpu.memory_space<hbm>>)
      tpu.yield
    }) : () -> ()
    "tpu.region"() ({
      %run_scoped3A = tpu.sem_alloc : memref<!tpu.dma_semaphore, #tpu.memory_space<semaphore_mem>>
      %dma_start3A = tpu.memref_slice %arg7[%arg0, %mul3A_14] : memref<2x102400xf32, #tpu.memory_space<hbm>> -> memref<1x6400xf32, #tpu.memory_space<hbm>>
      %dma_start3A_31 = tpu.memref_squeeze %dma_start3A : memref<1x6400xf32, #tpu.memory_space<hbm>> -> memref<6400xf32, #tpu.memory_space<hbm>>
      %dma_start3A_32 = tpu.memref_slice %arg10[%mul3A_14] : memref<102400xf32, #tpu.memory_space<vmem_shared>> -> memref<6400xf32, #tpu.memory_space<vmem_shared>>
      tpu.enqueue_dma source(%dma_start3A_32 : memref<6400xf32, #tpu.memory_space<vmem_shared>>) target(%dma_start3A_31 : memref<6400xf32, #tpu.memory_space<hbm>>) target_semaphore(%run_scoped3A : memref<!tpu.dma_semaphore, #tpu.memory_space<semaphore_mem>>)
      %dma_wait3A = tpu.memref_slice %arg7[%arg0, %mul3A_14] : memref<2x102400xf32, #tpu.memory_space<hbm>> -> memref<1x6400xf32, #tpu.memory_space<hbm>>
      %dma_wait3A_33 = tpu.memref_squeeze %dma_wait3A : memref<1x6400xf32, #tpu.memory_space<hbm>> -> memref<6400xf32, #tpu.memory_space<hbm>>
      %dma_wait3A_34 = tpu.memref_slice %arg10[%mul3A_14] : memref<102400xf32, #tpu.memory_space<vmem_shared>> -> memref<6400xf32, #tpu.memory_space<vmem_shared>>
      tpu.wait_dma2 semaphore(%run_scoped3A : memref<!tpu.dma_semaphore, #tpu.memory_space<semaphore_mem>>) src(%dma_wait3A_34 : memref<6400xf32, #tpu.memory_space<vmem_shared>>) dst(%dma_wait3A_33 : memref<6400xf32, #tpu.memory_space<hbm>>)
      tpu.yield
    }) : () -> ()
    return
  }
}

#map = affine_map<(d0, d1) -> (0, 0)>
#map1 = affine_map<(d0, d1) -> (0)>
#map2 = affine_map<(d0, d1) -> (0, 0, 0)>
module attributes {stable_mosaic.version = 14 : i64} {
  func.func @body(%arg0: i32, %arg1: i32, %arg2: memref<102400x16xf32, #tpu.memory_space<hbm>>, %arg3: memref<3200000xi32, #tpu.memory_space<hbm>>, %arg4: memref<3200000xi32, #tpu.memory_space<hbm>>, %arg5: memref<2x102400x16xf32, #tpu.memory_space<hbm>>, %arg6: memref<102400x16xf32, #tpu.memory_space<vmem_shared>>, %arg7: memref<1000x16xf32, #tpu.memory_space<vmem>>, %arg8: memref<1000xi32, #tpu.memory_space<vmem>>, %arg9: memref<1000xi32, #tpu.memory_space<vmem>>, %arg10: memref<!tpu.dma_semaphore, #tpu.memory_space<semaphore_mem>>) attributes {dimension_semantics = [#tpu.dimension_semantics<core_parallel>, #tpu.dimension_semantics<subcore_parallel>], iteration_bounds = array<i64: 2, 16>, scalar_prefetch = 0 : i64, scratch_operands = 5 : i64, tpu.core_type = #tpu.core_type<sc_vector_subcore>, window_params = [{transform_indices = #map}, {transform_indices = #map1}, {transform_indices = #map1}, {transform_indices = #map2}]} {
    %mul3A = arith.constant 2 : i32
    %mul3A_0 = arith.muli %arg1, %mul3A : i32
    %add3A = arith.addi %mul3A_0, %arg0 : i32
    %broadcast_in_dim3A = arith.constant 0.000000e+00 : f32
    %broadcast_in_dim3A_1 = vector.broadcast %broadcast_in_dim3A : f32 to vector<16xf32>
    %scan3A = arith.constant 0 : i32
    %scan3A_2 = arith.constant 400 : i32
    %scan3A_3 = arith.addi %scan3A, %scan3A_2 : i32
    %scan3A_4 = arith.constant 1 : i32
    scf.for %scan3A_19 = %scan3A to %scan3A_3 step %scan3A_4  : i32 {
      %mul3A_20 = arith.constant 1 : i32
      %mul3A_21 = arith.muli %scan3A_19, %mul3A_20 : i32
      %add3A_22 = arith.constant 0 : i32
      %add3A_23 = arith.addi %add3A_22, %mul3A_21 : i32
      %swap3A = arith.index_cast %add3A_23 : i32 to index
      %swap3A_24 = arith.constant 0 : index
      %swap3A_25 = tpu.vector_load %arg7[%swap3A, %swap3A_24] {strides = array<i32>} : memref<1000x16xf32, #tpu.memory_space<vmem>>, vector<1x16xf32>,
      %swap3A_26 = vector.shape_cast %swap3A_25 : vector<1x16xf32> to vector<16xf32>
      %swap3A_27 = vector.shape_cast %broadcast_in_dim3A_1 : vector<16xf32> to vector<1x16xf32>
      tpu.vector_store %arg7[%swap3A, %swap3A_24], %swap3A_27 {strides = array<i32>} : memref<1000x16xf32, #tpu.memory_space<vmem>>, vector<1x16xf32>,
    }
    %scan3A_5 = arith.constant 400 : i32
    %mul3A_6 = arith.constant 6400 : i32
    %mul3A_7 = arith.muli %arg1, %mul3A_6 : i32
    %scan3A_8 = arith.constant 0 : i32
    %scan3A_9 = arith.constant 16 : i32
    %scan3A_10 = arith.addi %scan3A_8, %scan3A_9 : i32
    %scan3A_11 = arith.constant 1 : i32
    scf.for %scan3A_19 = %scan3A_8 to %scan3A_10 step %scan3A_11  : i32 {
      %mul3A_20 = arith.constant 1 : i32
      %mul3A_21 = arith.muli %scan3A_19, %mul3A_20 : i32
      %add3A_22 = arith.constant 0 : i32
      %add3A_23 = arith.addi %add3A_22, %mul3A_21 : i32
      %mul3A_24 = arith.constant 400 : i32
      %mul3A_25 = arith.muli %add3A_23, %mul3A_24 : i32
      %add3A_26 = arith.addi %mul3A_7, %mul3A_25 : i32
      "tpu.region"() ({
        %run_scoped3A = tpu.sem_alloc : memref<!tpu.dma_semaphore, #tpu.memory_space<semaphore_mem>>
        %dma_start3A = arith.constant 0 : i32
        %dma_start3A_27 = arith.constant 0 : i32
        %dma_start3A_28 = tpu.memref_slice %arg7[%dma_start3A, %dma_start3A_27] : memref<1000x16xf32, #tpu.memory_space<vmem>> -> memref<400x16xf32, #tpu.memory_space<vmem>>
        %dma_start3A_29 = arith.constant 0 : i32
        %dma_start3A_30 = tpu.memref_slice %arg6[%add3A_26, %dma_start3A_29] : memref<102400x16xf32, #tpu.memory_space<vmem_shared>> -> memref<400x16xf32, #tpu.memory_space<vmem_shared>>
        %dma_start3A_31 = arith.constant 0 : i32
        %dma_start3A_32 = tpu.memref_slice %arg6[%add3A_26, %dma_start3A_31] : memref<102400x16xf32, #tpu.memory_space<vmem_shared>> -> memref<400x16xf32, #tpu.memory_space<vmem_shared>>
        %dma_start3A_33 = arith.constant 0 : i32
        %dma_start3A_34 = arith.constant 0 : i32
        %dma_start3A_35 = tpu.memref_slice %arg7[%dma_start3A_33, %dma_start3A_34] : memref<1000x16xf32, #tpu.memory_space<vmem>> -> memref<400x16xf32, #tpu.memory_space<vmem>>
        tpu.enqueue_dma source(%dma_start3A_35 : memref<400x16xf32, #tpu.memory_space<vmem>>) target(%dma_start3A_32 : memref<400x16xf32, #tpu.memory_space<vmem_shared>>) target_semaphore(%run_scoped3A : memref<!tpu.dma_semaphore, #tpu.memory_space<semaphore_mem>>)
        %dma_wait3A = arith.constant 0 : i32
        %dma_wait3A_36 = arith.constant 0 : i32
        %dma_wait3A_37 = tpu.memref_slice %arg7[%dma_wait3A, %dma_wait3A_36] : memref<1000x16xf32, #tpu.memory_space<vmem>> -> memref<400x16xf32, #tpu.memory_space<vmem>>
        %dma_wait3A_38 = arith.constant 0 : i32
        %dma_wait3A_39 = tpu.memref_slice %arg6[%add3A_26, %dma_wait3A_38] : memref<102400x16xf32, #tpu.memory_space<vmem_shared>> -> memref<400x16xf32, #tpu.memory_space<vmem_shared>>
        %dma_wait3A_40 = arith.constant 0 : i32
        %dma_wait3A_41 = tpu.memref_slice %arg6[%add3A_26, %dma_wait3A_40] : memref<102400x16xf32, #tpu.memory_space<vmem_shared>> -> memref<400x16xf32, #tpu.memory_space<vmem_shared>>
        %dma_wait3A_42 = arith.constant 0 : i32
        %dma_wait3A_43 = arith.constant 0 : i32
        %dma_wait3A_44 = tpu.memref_slice %arg7[%dma_wait3A_42, %dma_wait3A_43] : memref<1000x16xf32, #tpu.memory_space<vmem>> -> memref<400x16xf32, #tpu.memory_space<vmem>>
        tpu.wait_dma2 semaphore(%run_scoped3A : memref<!tpu.dma_semaphore, #tpu.memory_space<semaphore_mem>>) src(%dma_wait3A_44 : memref<400x16xf32, #tpu.memory_space<vmem>>) dst(%dma_wait3A_41 : memref<400x16xf32, #tpu.memory_space<vmem_shared>>)
        tpu.yield
      }) : () -> ()
    }
    %scan3A_12 = arith.constant 16 : i32
    %barrier3A = arith.constant 0 : index
    tpu.barrier barrier_id(%barrier3A)
    %scan3A_13 = arith.constant 0 : i32
    %scan3A_14 = arith.constant 100 : i32
    %scan3A_15 = arith.addi %scan3A_13, %scan3A_14 : i32
    %scan3A_16 = arith.constant 1 : i32
    scf.for %scan3A_19 = %scan3A_13 to %scan3A_15 step %scan3A_16  : i32 {
      %mul3A_20 = arith.constant 1 : i32
      %mul3A_21 = arith.muli %scan3A_19, %mul3A_20 : i32
      %add3A_22 = arith.constant 0 : i32
      %add3A_23 = arith.addi %add3A_22, %mul3A_21 : i32
      %mul3A_24 = arith.constant 100000 : i32
      %mul3A_25 = arith.muli %add3A, %mul3A_24 : i32
      %mul3A_26 = arith.constant 1000 : i32
      %mul3A_27 = arith.muli %add3A_23, %mul3A_26 : i32
      %add3A_28 = arith.addi %mul3A_25, %mul3A_27 : i32
      "tpu.region"() ({
        %run_scoped3A = tpu.sem_alloc : memref<!tpu.dma_semaphore, #tpu.memory_space<semaphore_mem>>
        %dma_start3A_33 = tpu.memref_slice %arg3[%add3A_28] : memref<3200000xi32, #tpu.memory_space<hbm>> -> memref<1000xi32, #tpu.memory_space<hbm>>
        %dma_start3A_34 = tpu.memref_slice %arg3[%add3A_28] : memref<3200000xi32, #tpu.memory_space<hbm>> -> memref<1000xi32, #tpu.memory_space<hbm>>
        tpu.enqueue_dma source(%dma_start3A_34 : memref<1000xi32, #tpu.memory_space<hbm>>) target(%arg8 : memref<1000xi32, #tpu.memory_space<vmem>>) target_semaphore(%run_scoped3A : memref<!tpu.dma_semaphore, #tpu.memory_space<semaphore_mem>>)
        %dma_wait3A_35 = tpu.memref_slice %arg3[%add3A_28] : memref<3200000xi32, #tpu.memory_space<hbm>> -> memref<1000xi32, #tpu.memory_space<hbm>>
        %dma_wait3A_36 = tpu.memref_slice %arg3[%add3A_28] : memref<3200000xi32, #tpu.memory_space<hbm>> -> memref<1000xi32, #tpu.memory_space<hbm>>
        tpu.wait_dma2 semaphore(%run_scoped3A : memref<!tpu.dma_semaphore, #tpu.memory_space<semaphore_mem>>) src(%dma_wait3A_36 : memref<1000xi32, #tpu.memory_space<hbm>>) dst(%arg8 : memref<1000xi32, #tpu.memory_space<vmem>>)
        tpu.yield
      }) : () -> ()
      "tpu.region"() ({
        %run_scoped3A = tpu.sem_alloc : memref<!tpu.dma_semaphore, #tpu.memory_space<semaphore_mem>>
        %dma_start3A_33 = tpu.memref_slice %arg4[%add3A_28] : memref<3200000xi32, #tpu.memory_space<hbm>> -> memref<1000xi32, #tpu.memory_space<hbm>>
        %dma_start3A_34 = tpu.memref_slice %arg4[%add3A_28] : memref<3200000xi32, #tpu.memory_space<hbm>> -> memref<1000xi32, #tpu.memory_space<hbm>>
        tpu.enqueue_dma source(%dma_start3A_34 : memref<1000xi32, #tpu.memory_space<hbm>>) target(%arg9 : memref<1000xi32, #tpu.memory_space<vmem>>) target_semaphore(%run_scoped3A : memref<!tpu.dma_semaphore, #tpu.memory_space<semaphore_mem>>)
        %dma_wait3A_35 = tpu.memref_slice %arg4[%add3A_28] : memref<3200000xi32, #tpu.memory_space<hbm>> -> memref<1000xi32, #tpu.memory_space<hbm>>
        %dma_wait3A_36 = tpu.memref_slice %arg4[%add3A_28] : memref<3200000xi32, #tpu.memory_space<hbm>> -> memref<1000xi32, #tpu.memory_space<hbm>>
        tpu.wait_dma2 semaphore(%run_scoped3A : memref<!tpu.dma_semaphore, #tpu.memory_space<semaphore_mem>>) src(%dma_wait3A_36 : memref<1000xi32, #tpu.memory_space<hbm>>) dst(%arg9 : memref<1000xi32, #tpu.memory_space<vmem>>)
        tpu.yield
      }) : () -> ()
      %dma_start3A = arith.constant 0 : i32
      %dma_start3A_29 = arith.constant 0 : i32
      %dma_start3A_30 = tpu.memref_slice %arg2[%dma_start3A, %dma_start3A_29] : memref<102400x16xf32, #tpu.memory_space<hbm>> -> memref<102400x16xf32, #tpu.memory_space<hbm>>
      tpu.enqueue_indirect_dma source(%dma_start3A_30 : memref<102400x16xf32, #tpu.memory_space<hbm>>) target(%arg7 : memref<1000x16xf32, #tpu.memory_space<vmem>>) offsets(%arg8 : memref<1000xi32, #tpu.memory_space<vmem>>) semaphore(%arg10 : memref<!tpu.dma_semaphore, #tpu.memory_space<semaphore_mem>>)
      %dma_wait3A = arith.constant 0 : i32
      %dma_wait3A_31 = arith.constant 0 : i32
      %dma_wait3A_32 = tpu.memref_slice %arg2[%dma_wait3A, %dma_wait3A_31] : memref<102400x16xf32, #tpu.memory_space<hbm>> -> memref<102400x16xf32, #tpu.memory_space<hbm>>
      tpu.wait_indirect_dma semaphore(%arg10 : memref<!tpu.dma_semaphore, #tpu.memory_space<semaphore_mem>>) src(%dma_wait3A_32 : memref<102400x16xf32, #tpu.memory_space<hbm>>) dst(%arg7 : memref<1000x16xf32, #tpu.memory_space<vmem>>)
      "tpu.region"() ({
        %run_scoped3A = tpu.sem_alloc : memref<!tpu.dma_semaphore, #tpu.memory_space<semaphore_mem>>
        %dma_start3A_33 = arith.constant 0 : i32
        %dma_start3A_34 = arith.constant 0 : i32
        %dma_start3A_35 = tpu.memref_slice %arg6[%dma_start3A_33, %dma_start3A_34] : memref<102400x16xf32, #tpu.memory_space<vmem_shared>> -> memref<102400x16xf32, #tpu.memory_space<vmem_shared>>
        tpu.enqueue_indirect_dma source(%arg7 : memref<1000x16xf32, #tpu.memory_space<vmem>>) target(%dma_start3A_35 : memref<102400x16xf32, #tpu.memory_space<vmem_shared>>) offsets(%arg9 : memref<1000xi32, #tpu.memory_space<vmem>>) semaphore(%run_scoped3A : memref<!tpu.dma_semaphore, #tpu.memory_space<semaphore_mem>>) {add = true}
        %dma_wait3A_36 = arith.constant 0 : i32
        %dma_wait3A_37 = arith.constant 0 : i32
        %dma_wait3A_38 = tpu.memref_slice %arg6[%dma_wait3A_36, %dma_wait3A_37] : memref<102400x16xf32, #tpu.memory_space<vmem_shared>> -> memref<102400x16xf32, #tpu.memory_space<vmem_shared>>
        tpu.wait_indirect_dma semaphore(%run_scoped3A : memref<!tpu.dma_semaphore, #tpu.memory_space<semaphore_mem>>) src(%arg7 : memref<1000x16xf32, #tpu.memory_space<vmem>>) dst(%dma_wait3A_38 : memref<102400x16xf32, #tpu.memory_space<vmem_shared>>)
        tpu.yield
      }) : () -> ()
    }
    %scan3A_17 = arith.constant 100 : i32
    %barrier3A_18 = arith.constant 0 : index
    tpu.barrier barrier_id(%barrier3A_18)
    "tpu.region"() ({
      %run_scoped3A = tpu.sem_alloc : memref<!tpu.dma_semaphore, #tpu.memory_space<semaphore_mem>>
      %dma_start3A = arith.constant 0 : i32
      %dma_start3A_19 = tpu.memref_slice %arg5[%arg0, %mul3A_7, %dma_start3A] : memref<2x102400x16xf32, #tpu.memory_space<hbm>> -> memref<1x6400x16xf32, #tpu.memory_space<hbm>>
      %dma_start3A_20 = tpu.memref_squeeze %dma_start3A_19 : memref<1x6400x16xf32, #tpu.memory_space<hbm>> -> memref<6400x16xf32, #tpu.memory_space<hbm>>
      %dma_start3A_21 = arith.constant 0 : i32
      %dma_start3A_22 = tpu.memref_slice %arg6[%mul3A_7, %dma_start3A_21] : memref<102400x16xf32, #tpu.memory_space<vmem_shared>> -> memref<6400x16xf32, #tpu.memory_space<vmem_shared>>
      tpu.enqueue_dma source(%dma_start3A_22 : memref<6400x16xf32, #tpu.memory_space<vmem_shared>>) target(%dma_start3A_20 : memref<6400x16xf32, #tpu.memory_space<hbm>>) target_semaphore(%run_scoped3A : memref<!tpu.dma_semaphore, #tpu.memory_space<semaphore_mem>>)
      %dma_wait3A = arith.constant 0 : i32
      %dma_wait3A_23 = tpu.memref_slice %arg5[%arg0, %mul3A_7, %dma_wait3A] : memref<2x102400x16xf32, #tpu.memory_space<hbm>> -> memref<1x6400x16xf32, #tpu.memory_space<hbm>>
      %dma_wait3A_24 = tpu.memref_squeeze %dma_wait3A_23 : memref<1x6400x16xf32, #tpu.memory_space<hbm>> -> memref<6400x16xf32, #tpu.memory_space<hbm>>
      %dma_wait3A_25 = arith.constant 0 : i32
      %dma_wait3A_26 = tpu.memref_slice %arg6[%mul3A_7, %dma_wait3A_25] : memref<102400x16xf32, #tpu.memory_space<vmem_shared>> -> memref<6400x16xf32, #tpu.memory_space<vmem_shared>>
      tpu.wait_dma2 semaphore(%run_scoped3A : memref<!tpu.dma_semaphore, #tpu.memory_space<semaphore_mem>>) src(%dma_wait3A_26 : memref<6400x16xf32, #tpu.memory_space<vmem_shared>>) dst(%dma_wait3A_24 : memref<6400x16xf32, #tpu.memory_space<hbm>>)
      tpu.yield
    }) : () -> ()
    return
  }
}

module attributes {stable_mosaic.version = 14 : i64} {
  func.func @body(%arg0: i32, %arg1: memref<2000x128xf32, #tpu.memory_space<vmem>>, %arg2: memref<128x128xf32, #tpu.memory_space<vmem>>, %arg3: memref<128x128xf32, #tpu.memory_space<vmem>>, %arg4: memref<128x128xf32, #tpu.memory_space<vmem>>, %arg5: memref<128x128xf32, #tpu.memory_space<vmem>>, %arg6: memref<128xf32, #tpu.memory_space<vmem>>, %arg7: memref<128xf32, #tpu.memory_space<vmem>>, %arg8: memref<128xf32, #tpu.memory_space<vmem>>, %arg9: memref<128xf32, #tpu.memory_space<vmem>>, %arg10: memref<128xf32, #tpu.memory_space<vmem>>, %arg11: memref<2000x128xf32, #tpu.memory_space<vmem>>) attributes {dimension_semantics = [#tpu.dimension_semantics<arbitrary>], iteration_bounds = array<i64: 200>, scalar_prefetch = 0 : i64, scratch_operands = 0 : i64, tpu.core_type = #tpu.core_type<tc>, window_params = [{transform_indices = @transform_0, window_bounds = array<i64: 2000, 128>}, {pipeline_mode = #tpu.pipeline_mode<synchronous>, transform_indices = @transform_1, window_bounds = array<i64: 128, 128>}, {pipeline_mode = #tpu.pipeline_mode<synchronous>, transform_indices = @transform_2, window_bounds = array<i64: 128, 128>}, {pipeline_mode = #tpu.pipeline_mode<synchronous>, transform_indices = @transform_3, window_bounds = array<i64: 128, 128>}, {pipeline_mode = #tpu.pipeline_mode<synchronous>, transform_indices = @transform_4, window_bounds = array<i64: 128, 128>}, {pipeline_mode = #tpu.pipeline_mode<synchronous>, transform_indices = @transform_5, window_bounds = array<i64: 128>}, {pipeline_mode = #tpu.pipeline_mode<synchronous>, transform_indices = @transform_6, window_bounds = array<i64: 128>}, {pipeline_mode = #tpu.pipeline_mode<synchronous>, transform_indices = @transform_7, window_bounds = array<i64: 128>}, {pipeline_mode = #tpu.pipeline_mode<synchronous>, transform_indices = @transform_8, window_bounds = array<i64: 128>}, {pipeline_mode = #tpu.pipeline_mode<synchronous>, transform_indices = @transform_9, window_bounds = array<i64: 128>}, {transform_indices = @transform_10, window_bounds = array<i64: 2000, 128>}]} {
    %get3A = arith.constant 0 : index
    %get3A_0 = arith.constant 0 : index
    %get3A_1 = vector.load %arg1[%get3A, %get3A_0] : memref<2000x128xf32, #tpu.memory_space<vmem>>, vector<2000x128xf32>
    %get3A_2 = arith.constant 0 : index
    %get3A_3 = arith.constant 0 : index
    %get3A_4 = vector.load %arg2[%get3A_2, %get3A_3] : memref<128x128xf32, #tpu.memory_space<vmem>>, vector<128x128xf32>
    %dot_general3A = arith.constant dense<0.000000e+00> : vector<2000x128xf32>
    %dot_general3A_5 = tpu.matmul %get3A_1, %get3A_4, %dot_general3A {dimension_numbers = #tpu.dot_dimension_numbers<[1], [0], [0], [1], [0, 0, 1, 1], [], []>, transpose_lhs_hint = false} : vector<2000x128xf32>, vector<128x128xf32>, vector<2000x128xf32> -> vector<2000x128xf32>
    %get3A_6 = arith.constant 0 : index
    %get3A_7 = vector.load %arg6[%get3A_6] : memref<128xf32, #tpu.memory_space<vmem>>, vector<128xf32>
    %broadcast_in_dim3A = vector.shape_cast %get3A_7 : vector<128xf32> to vector<1x128xf32>
    %add3A = vector.broadcast %broadcast_in_dim3A : vector<1x128xf32> to vector<2000x128xf32>
    %add3A_8 = arith.addf %dot_general3A_5, %add3A : vector<2000x128xf32>
    %max3A = arith.constant 0.000000e+00 : f32
    %max3A_9 = vector.broadcast %max3A : f32 to vector<2000x128xf32>
    %max3A_10 = arith.maximumf %add3A_8, %max3A_9 : vector<2000x128xf32>
    %get3A_11 = arith.constant 0 : index
    %get3A_12 = arith.constant 0 : index
    %get3A_13 = vector.load %arg3[%get3A_11, %get3A_12] : memref<128x128xf32, #tpu.memory_space<vmem>>, vector<128x128xf32>
    %dot_general3A_14 = arith.constant dense<0.000000e+00> : vector<2000x128xf32>
    %dot_general3A_15 = tpu.matmul %max3A_10, %get3A_13, %dot_general3A_14 {dimension_numbers = #tpu.dot_dimension_numbers<[1], [0], [0], [1], [0, 0, 1, 1], [], []>, transpose_lhs_hint = false} : vector<2000x128xf32>, vector<128x128xf32>, vector<2000x128xf32> -> vector<2000x128xf32>
    %get3A_16 = arith.constant 0 : index
    %get3A_17 = vector.load %arg7[%get3A_16] : memref<128xf32, #tpu.memory_space<vmem>>, vector<128xf32>
    %broadcast_in_dim3A_18 = vector.shape_cast %get3A_17 : vector<128xf32> to vector<1x128xf32>
    %add3A_19 = vector.broadcast %broadcast_in_dim3A_18 : vector<1x128xf32> to vector<2000x128xf32>
    %add3A_20 = arith.addf %dot_general3A_15, %add3A_19 : vector<2000x128xf32>
    %max3A_21 = arith.constant 0.000000e+00 : f32
    %max3A_22 = vector.broadcast %max3A_21 : f32 to vector<2000x128xf32>
    %max3A_23 = arith.maximumf %add3A_20, %max3A_22 : vector<2000x128xf32>
    %get3A_24 = arith.constant 0 : index
    %get3A_25 = arith.constant 0 : index
    %get3A_26 = vector.load %arg4[%get3A_24, %get3A_25] : memref<128x128xf32, #tpu.memory_space<vmem>>, vector<128x128xf32>
    %dot_general3A_27 = arith.constant dense<0.000000e+00> : vector<2000x128xf32>
    %dot_general3A_28 = tpu.matmul %max3A_23, %get3A_26, %dot_general3A_27 {dimension_numbers = #tpu.dot_dimension_numbers<[1], [0], [0], [1], [0, 0, 1, 1], [], []>, transpose_lhs_hint = false} : vector<2000x128xf32>, vector<128x128xf32>, vector<2000x128xf32> -> vector<2000x128xf32>
    %get3A_29 = arith.constant 0 : index
    %get3A_30 = vector.load %arg8[%get3A_29] : memref<128xf32, #tpu.memory_space<vmem>>, vector<128xf32>
    %broadcast_in_dim3A_31 = vector.shape_cast %get3A_30 : vector<128xf32> to vector<1x128xf32>
    %add3A_32 = vector.broadcast %broadcast_in_dim3A_31 : vector<1x128xf32> to vector<2000x128xf32>
    %add3A_33 = arith.addf %dot_general3A_28, %add3A_32 : vector<2000x128xf32>
    %get3A_34 = arith.constant 0 : index
    %get3A_35 = arith.constant 0 : index
    %get3A_36 = vector.load %arg5[%get3A_34, %get3A_35] : memref<128x128xf32, #tpu.memory_space<vmem>>, vector<128x128xf32>
    %dot_general3A_37 = arith.constant dense<0.000000e+00> : vector<2000x128xf32>
    %dot_general3A_38 = tpu.matmul %add3A_33, %get3A_36, %dot_general3A_37 {dimension_numbers = #tpu.dot_dimension_numbers<[1], [0], [0], [1], [0, 0, 1, 1], [], []>, transpose_lhs_hint = false} : vector<2000x128xf32>, vector<128x128xf32>, vector<2000x128xf32> -> vector<2000x128xf32>
    %sub3A = arith.subf %add3A_33, %dot_general3A_38 : vector<2000x128xf32>
    %mul3A = arith.mulf %sub3A, %sub3A : vector<2000x128xf32>
    %dot_general3A_39 = arith.constant dense<0.000000e+00> : vector<2000x128xf32>
    %dot_general3A_40 = tpu.matmul %mul3A, %get3A_36, %dot_general3A_39 {dimension_numbers = #tpu.dot_dimension_numbers<[1], [0], [0], [1], [0, 0, 1, 1], [], []>, transpose_lhs_hint = false} : vector<2000x128xf32>, vector<128x128xf32>, vector<2000x128xf32> -> vector<2000x128xf32>
    %add3A_41 = arith.constant 9.99999974E-6 : f32
    %add3A_42 = vector.broadcast %add3A_41 : f32 to vector<2000x128xf32>
    %add3A_43 = arith.addf %dot_general3A_40, %add3A_42 : vector<2000x128xf32>
    %rsqrt3A = math.rsqrt %add3A_43 : vector<2000x128xf32>
    %mul3A_44 = arith.mulf %sub3A, %rsqrt3A : vector<2000x128xf32>
    %get3A_45 = arith.constant 0 : index
    %get3A_46 = vector.load %arg9[%get3A_45] : memref<128xf32, #tpu.memory_space<vmem>>, vector<128xf32>
    %broadcast_in_dim3A_47 = vector.shape_cast %get3A_46 : vector<128xf32> to vector<1x128xf32>
    %mul3A_48 = vector.broadcast %broadcast_in_dim3A_47 : vector<1x128xf32> to vector<2000x128xf32>
    %mul3A_49 = arith.mulf %mul3A_44, %mul3A_48 : vector<2000x128xf32>
    %get3A_50 = arith.constant 0 : index
    %get3A_51 = vector.load %arg10[%get3A_50] : memref<128xf32, #tpu.memory_space<vmem>>, vector<128xf32>
    %broadcast_in_dim3A_52 = vector.shape_cast %get3A_51 : vector<128xf32> to vector<1x128xf32>
    %add3A_53 = vector.broadcast %broadcast_in_dim3A_52 : vector<1x128xf32> to vector<2000x128xf32>
    %add3A_54 = arith.addf %mul3A_49, %add3A_53 : vector<2000x128xf32>
    %swap3A = arith.constant 0 : index
    %swap3A_55 = arith.constant 0 : index
    %swap3A_56 = vector.load %arg11[%swap3A, %swap3A_55] : memref<2000x128xf32, #tpu.memory_space<vmem>>, vector<2000x128xf32>
    tpu.vector_store %arg11[%swap3A, %swap3A_55], %add3A_54 {strides = array<i32>} : memref<2000x128xf32, #tpu.memory_space<vmem>>, vector<2000x128xf32>,
    return
  }
  func.func @transform_0(%arg0: i32) -> (i32, i32) {
    %c0_i32 = arith.constant 0 : i32
    %c0_i32_0 = arith.constant 0 : i32
    return %arg0, %c0_i32 : i32, i32
  }
  func.func @transform_1(%arg0: i32) -> (i32, i32) {
    %c0_i32 = arith.constant 0 : i32
    %c0_i32_0 = arith.constant 0 : i32
    %c0_i32_1 = arith.constant 0 : i32
    return %c0_i32, %c0_i32_0 : i32, i32
  }
  func.func @transform_2(%arg0: i32) -> (i32, i32) {
    %c0_i32 = arith.constant 0 : i32
    %c0_i32_0 = arith.constant 0 : i32
    %c0_i32_1 = arith.constant 0 : i32
    return %c0_i32, %c0_i32_0 : i32, i32
  }
  func.func @transform_3(%arg0: i32) -> (i32, i32) {
    %c0_i32 = arith.constant 0 : i32
    %c0_i32_0 = arith.constant 0 : i32
    %c0_i32_1 = arith.constant 0 : i32
    return %c0_i32, %c0_i32_0 : i32, i32
  }
  func.func @transform_4(%arg0: i32) -> (i32, i32) {
    %c0_i32 = arith.constant 0 : i32
    %c0_i32_0 = arith.constant 0 : i32
    %c0_i32_1 = arith.constant 0 : i32
    return %c0_i32, %c0_i32_0 : i32, i32
  }
  func.func @transform_5(%arg0: i32) -> i32 {
    %c0_i32 = arith.constant 0 : i32
    %c0_i32_0 = arith.constant 0 : i32
    return %c0_i32 : i32
  }
  func.func @transform_6(%arg0: i32) -> i32 {
    %c0_i32 = arith.constant 0 : i32
    %c0_i32_0 = arith.constant 0 : i32
    return %c0_i32 : i32
  }
  func.func @transform_7(%arg0: i32) -> i32 {
    %c0_i32 = arith.constant 0 : i32
    %c0_i32_0 = arith.constant 0 : i32
    return %c0_i32 : i32
  }
  func.func @transform_8(%arg0: i32) -> i32 {
    %c0_i32 = arith.constant 0 : i32
    %c0_i32_0 = arith.constant 0 : i32
    return %c0_i32 : i32
  }
  func.func @transform_9(%arg0: i32) -> i32 {
    %c0_i32 = arith.constant 0 : i32
    %c0_i32_0 = arith.constant 0 : i32
    return %c0_i32 : i32
  }
  func.func @transform_10(%arg0: i32) -> (i32, i32) {
    %c0_i32 = arith.constant 0 : i32
    %c0_i32_0 = arith.constant 0 : i32
    return %arg0, %c0_i32 : i32, i32
  }
}

module attributes {stable_mosaic.version = 14 : i64} {
  func.func @body(%arg0: i32, %arg1: memref<2048x16xf32, #tpu.memory_space<vmem>>, %arg2: memref<2048x16xf32, #tpu.memory_space<vmem>>, %arg3: memref<2048xf32, #tpu.memory_space<vmem>>, %arg4: memref<16x128xf32, #tpu.memory_space<vmem>>, %arg5: memref<128xf32, #tpu.memory_space<vmem>>, %arg6: memref<2048x128xf32, #tpu.memory_space<vmem>>) attributes {dimension_semantics = [#tpu.dimension_semantics<arbitrary>], iteration_bounds = array<i64: 49>, scalar_prefetch = 0 : i64, scratch_operands = 0 : i64, tpu.core_type = #tpu.core_type<tc>, window_params = [{transform_indices = @transform_0, window_bounds = array<i64: 2048, 16>}, {transform_indices = @transform_1, window_bounds = array<i64: 2048, 16>}, {transform_indices = @transform_2, window_bounds = array<i64: 2048>}, {pipeline_mode = #tpu.pipeline_mode<synchronous>, transform_indices = @transform_3, window_bounds = array<i64: 16, 128>}, {pipeline_mode = #tpu.pipeline_mode<synchronous>, transform_indices = @transform_4, window_bounds = array<i64: 128>}, {transform_indices = @transform_5, window_bounds = array<i64: 2048, 128>}]} {
    %get3A = arith.constant 0 : index
    %get3A_0 = arith.constant 0 : index
    %get3A_1 = vector.load %arg1[%get3A, %get3A_0] : memref<2048x16xf32, #tpu.memory_space<vmem>>, vector<2048x16xf32>
    %get3A_2 = arith.constant 0 : index
    %get3A_3 = arith.constant 0 : index
    %get3A_4 = vector.load %arg2[%get3A_2, %get3A_3] : memref<2048x16xf32, #tpu.memory_space<vmem>>, vector<2048x16xf32>
    %add3A = arith.addf %get3A_1, %get3A_4 : vector<2048x16xf32>
    %get3A_5 = arith.constant 0 : index
    %get3A_6 = vector.load %arg3[%get3A_5] : memref<2048xf32, #tpu.memory_space<vmem>>, vector<2048xf32>
    %broadcast_in_dim3A = vector.shape_cast %get3A_6 : vector<2048xf32> to vector<2048x1xf32>
    %mul3A = vector.broadcast %broadcast_in_dim3A : vector<2048x1xf32> to vector<2048x16xf32>
    %mul3A_7 = arith.mulf %add3A, %mul3A : vector<2048x16xf32>
    %get3A_8 = arith.constant 0 : index
    %get3A_9 = arith.constant 0 : index
    %get3A_10 = vector.load %arg4[%get3A_8, %get3A_9] : memref<16x128xf32, #tpu.memory_space<vmem>>, vector<16x128xf32>
    %dot_general3A = arith.constant dense<0.000000e+00> : vector<2048x128xf32>
    %dot_general3A_11 = tpu.matmul %mul3A_7, %get3A_10, %dot_general3A {dimension_numbers = #tpu.dot_dimension_numbers<[1], [0], [0], [1], [0, 0, 1, 1], [], []>, transpose_lhs_hint = false} : vector<2048x16xf32>, vector<16x128xf32>, vector<2048x128xf32> -> vector<2048x128xf32>
    %get3A_12 = arith.constant 0 : index
    %get3A_13 = vector.load %arg5[%get3A_12] : memref<128xf32, #tpu.memory_space<vmem>>, vector<128xf32>
    %broadcast_in_dim3A_14 = vector.shape_cast %get3A_13 : vector<128xf32> to vector<1x128xf32>
    %add3A_15 = vector.broadcast %broadcast_in_dim3A_14 : vector<1x128xf32> to vector<2048x128xf32>
    %add3A_16 = arith.addf %dot_general3A_11, %add3A_15 : vector<2048x128xf32>
    %max3A = arith.constant 0.000000e+00 : f32
    %max3A_17 = vector.broadcast %max3A : f32 to vector<2048x128xf32>
    %max3A_18 = arith.maximumf %add3A_16, %max3A_17 : vector<2048x128xf32>
    %swap3A = arith.constant 0 : index
    %swap3A_19 = arith.constant 0 : index
    %swap3A_20 = vector.load %arg6[%swap3A, %swap3A_19] : memref<2048x128xf32, #tpu.memory_space<vmem>>, vector<2048x128xf32>
    tpu.vector_store %arg6[%swap3A, %swap3A_19], %max3A_18 {strides = array<i32>} : memref<2048x128xf32, #tpu.memory_space<vmem>>, vector<2048x128xf32>,
    return
  }
  func.func @transform_0(%arg0: i32) -> (i32, i32) {
    %c0_i32 = arith.constant 0 : i32
    %c0_i32_0 = arith.constant 0 : i32
    return %arg0, %c0_i32 : i32, i32
  }
  func.func @transform_1(%arg0: i32) -> (i32, i32) {
    %add3A = arith.constant 50 : i32
    %add3A_0 = arith.addi %arg0, %add3A : i32
    %c0_i32 = arith.constant 0 : i32
    %c0_i32_1 = arith.constant 0 : i32
    return %add3A_0, %c0_i32 : i32, i32
  }
  func.func @transform_2(%arg0: i32) -> i32 {
    %c0_i32 = arith.constant 0 : i32
    return %arg0 : i32
  }
  func.func @transform_3(%arg0: i32) -> (i32, i32) {
    %c0_i32 = arith.constant 0 : i32
    %c0_i32_0 = arith.constant 0 : i32
    %c0_i32_1 = arith.constant 0 : i32
    return %c0_i32, %c0_i32_0 : i32, i32
  }
  func.func @transform_4(%arg0: i32) -> i32 {
    %c0_i32 = arith.constant 0 : i32
    %c0_i32_0 = arith.constant 0 : i32
    return %c0_i32 : i32
  }
  func.func @transform_5(%arg0: i32) -> (i32, i32) {
    %c0_i32 = arith.constant 0 : i32
    %c0_i32_0 = arith.constant 0 : i32
    return %arg0, %c0_i32 : i32, i32
  }
}

</mosaic_0001>

<sc_bundles>
// kernel: kernel.10.cloned.1.call-start
scs
__scs_entry_jumppad:
0x0: {  	(pc) =	sbr.rel $0x88, $3  }
0x1: {  	(tag) =	ssettag $0x0;
	lr =	simm.s32 $0x1  }
0x2: {  	[smem:$0x3F95] =	sst lr;
	_ =	strace $0xD0000000  }
0x3: {  	_ = 	snop  }
0x4: {  	_ = 	snop  }
0x5: {  	_ = 	snop  }
0x6: {  	_ = 	snop  }
0x7: {  	_ = 	snop  }
__scs_overlays_trampoline_lowered:
0x8: {  	[smem:$0x3FA4] =	sst s0  }
0x9: {  	[smem:$0x3FA5] =	sst s1  }
0xa: {  	[smem:$0x3FA6] =	sst s2  }
0xb: {  	[smem:$0x3FA7] =	sst s3  }
0xc: {  	[smem:$0x3FA8] =	sst s4  }
0xd: {  	[smem:$0x3FA9] =	sst s5  }
0xe: {  	[smem:$0x3FAA] =	sst s6  }
0xf: {  	[smem:$0x3FAB] =	sst s7  }
0x10: {  	[smem:$0x3FAC] =	sst s8  }
0x11: {  	[smem:$0x3FAD] =	sst s9;
	s0 =	simm.s32 @!p0 $0x0  }
0x12: {  	s1 =	sld [smem:$0x3F93];
	s0 =	simm.s32 @p0 $0x1  }
0x13: {  	[smem:$0x3FAE] =	sst s0;
	s0 =	simm.s32 @!p1 $0x0  }
0x14: {  	s2 =	sld [smem:$0x3F92];
	s0 =	simm.s32 @p1 $0x1  }
0x15: {  	[smem:$0x3FAF] =	sst s0;
	s0 =	simm.s32 @!p2 $0x0  }
0x16: {  	s3 =	sld [smem:$0x3FDB];
	s0 =	simm.s32 @p2 $0x1  }
0x17: {  	s4 =	simm.s32 $0x1BF5;
	[smem:$0x3FB1] =	sst s0  }
0x18: {  	s0 =	sld [smem:$0x3F94];
	_ =	swait.ge [sflag:s4], $0x0  }
0x19: {  	s7 =	sld [smem:$0x3F95]  }
0x1a: {  	s8 =	sadd.s32 $0xFFFFE003, lr  }
0x1b: {  	s9 =	sadd.s32 $0xFFFFFEF7, lr;
	s5 =	simm.s32 $0xFFFFFFFF;
	p2 =	slt.u32 s8, $0xFFFFF086  }
0x1c: {  	p1 =	slt.u32 s9, $0xF7A;
	s5 =	simm.s32 @!p2 $0x0  }
0x1d: {  	s5 =	simm.s32 @p1 $0x1;
	p0 =	seq.s32 s7, s2  }
0x1e: {  	s7 =	smul.u32 @!p0 $0xF7A, s2;
	p2 =	seq.s32 @!p0 s5, $0x0  }
0x1f: {  	s9 =	smul.u32 $0xF7A, s1;
	s8 =	simm.s32 @!p0 $0x1BF5;
	p2 =	por !p2, p0  }
0x20: {  	[sflag:s8] =	ssyncset.s32 @!p0 $0xFFFFF086;
	s6 =	sadd.s32 @!p0 s3, s7;
	s7 =	simm.s32 @!p0 $0x108  }
0x21: {  	s3 =	sadd.s32 s3, s9;
	s6 =	sadd.s32 @!p0 $0x88, s6;
	s7 =	simm.s32 @p2 $0x1082  }
0x22: {  	[simem:s7], [sflag:s8] =	dma.local @!p0 [hbm:s6], $0xF7A  }
0x23: {  	s9 =	sor.u32 $0xD0000000, s2;
	s6 =	simm.s32 $0x108;
	_ =	swait.ge @!p0 [sflag:s8], $0x0  }
0x24: {  	s3 =	sadd.s32 $0x88, s3;
	s6 =	simm.s32 @!p1 $0x1082;
	[sflag:s4] =	ssyncset.s32 $0xFFFFF086  }
0x25: {  	[simem:s6], [sflag:s4] =	dma.local [hbm:s3], $0xF7A  }
0x26: {  	[smem:$0x3F95] =	sst s1;
	(tag) =	ssettag s2;
	_ =	strace s9  }
0x27: {  	s1 =	sld [smem:$0x3FA5]  }
0x28: {  	s2 =	sld [smem:$0x3FA6]  }
0x29: {  	s4 =	sld [smem:$0x3FA8]  }
0x2a: {  	p0 =	seq.s32 s5, $0x0;
	s5 =	sld [smem:$0x3FA9]  }
0x2b: {  	s6 =	sld [smem:$0x3FAA]  }
0x2c: {  	s7 =	sld [smem:$0x3FAB]  }
0x2d: {  	s3 =	simm.s32 $0x108;
	s8 =	sld [smem:$0x3FAC]  }
0x2e: {  	s3 =	simm.s32 @!p0 $0x1082;
	s9 =	sld [smem:$0x3FAD]  }
0x2f: {  	lr =	sadd.s32 s0, s3;
	s0 =	sld [smem:$0x3FA4]  }
0x30: {  	s3 =	sld [smem:$0x3FA7]  }
0x31: {  	[smem:$0x3FB0] =	sst s10  }
0x32: {  	s10 =	sld [smem:$0x3FAE];
	_ =	sdelay $0x3  }
0x33: {  	p0 =	seq.s32 s10, $0x1;
	s10 =	sld [smem:$0x3FB0];
	_ =	sdelay $0x3  }
0x34: {  	[smem:$0x3FB0] =	sst s10  }
0x35: {  	s10 =	sld [smem:$0x3FAF];
	_ =	sdelay $0x3  }
0x36: {  	p1 =	seq.s32 s10, $0x1;
	s10 =	sld [smem:$0x3FB0];
	_ =	sdelay $0x3  }
0x37: {  	[smem:$0x3FB0] =	sst s10  }
0x38: {  	s10 =	sld [smem:$0x3FB1]  }
0x39: {  	_ = 	snop;
	(pc) =	sbr.ind lr, $3  }
0x3a: {  	_ = 	snop  }
0x3b: {  	_ = 	snop  }
0x3c: {  	p2 =	seq.s32 s10, $0x1;
	s10 =	sld [smem:$0x3FB0]  }
0x3d: {  	_ =	shalt  }
0x3e: {  	_ =	shalt  }
0x3f: {  	_ =	shalt  }
0x40: {  	_ =	shalt  }
0x41: {  	_ =	shalt  }
0x42: {  	_ =	shalt  }
0x43: {  	_ =	shalt  }
0x44: {  	_ =	shalt  }
0x45: {  	_ =	shalt  }
0x46: {  	_ =	shalt  }
0x47: {  	_ =	shalt  }
0x48: {  	_ =	shalt  }
0x49: {  	_ =	shalt  }
0x4a: {  	_ =	shalt  }
0x4b: {  	_ =	shalt  }
0x4c: {  	_ =	shalt  }
0x4d: {  	_ =	shalt  }
0x4e: {  	_ =	shalt  }
0x4f: {  	_ =	shalt  }
0x50: {  	_ =	shalt  }
0x51: {  	_ =	shalt  }
0x52: {  	_ =	shalt  }
0x53: {  	_ =	shalt  }
0x54: {  	_ =	shalt  }
0x55: {  	_ =	shalt  }
0x56: {  	_ =	shalt  }
0x57: {  	_ =	shalt  }
0x58: {  	_ =	shalt  }
0x59: {  	_ =	shalt  }
0x5a: {  	_ =	shalt  }
0x5b: {  	_ =	shalt  }
0x5c: {  	_ =	shalt  }
0x5d: {  	_ =	shalt  }
0x5e: {  	_ =	shalt  }
0x5f: {  	_ =	shalt  }
0x60: {  	_ =	shalt  }
0x61: {  	_ =	shalt  }
0x62: {  	_ =	shalt  }
0x63: {  	_ =	shalt  }
0x64: {  	_ =	shalt  }
0x65: {  	_ =	shalt  }
0x66: {  	_ =	shalt  }
0x67: {  	_ =	shalt  }
0x68: {  	_ =	shalt  }
0x69: {  	_ =	shalt  }
0x6a: {  	_ =	shalt  }
0x6b: {  	_ =	shalt  }
0x6c: {  	_ =	shalt  }
0x6d: {  	_ =	shalt  }
0x6e: {  	_ =	shalt  }
0x6f: {  	_ =	shalt  }
0x70: {  	_ =	shalt  }
0x71: {  	_ =	shalt  }
0x72: {  	_ =	shalt  }
0x73: {  	_ =	shalt  }
0x74: {  	_ =	shalt  }
0x75: {  	_ =	shalt  }
0x76: {  	_ =	shalt  }
0x77: {  	_ =	shalt  }
0x78: {  	_ =	shalt  }
0x79: {  	_ =	shalt  }
0x7a: {  	_ =	shalt  }
0x7b: {  	_ =	shalt  }
0x7c: {  	_ =	shalt  }
0x7d: {  	_ =	shalt  }
0x7e: {  	_ =	shalt  }
0x7f: {  	_ =	shalt  }
0x80: {  	_ =	shalt  }
0x81: {  	_ =	shalt  }
0x82: {  	_ =	shalt  }
0x83: {  	_ =	shalt  }
0x84: {  	_ =	shalt  }
0x85: {  	_ =	shalt  }
0x86: {  	_ =	shalt  }
0x87: {  	_ =	shalt  }
.Lfunc_end0:
.L_simem_size_0:
called_computation.1_lowered:
.L_overlay_start_0:
0x88: {  	s2 =	sld [smem:$0x3FD9]  }
0x89: {  	s3 =	sld [smem:$0x3FFE];
	_ =	sdelay $0x1  }
0x8a: {  	s1 =	srdreg.scid  }
0x8b: {  	s0 =	sand.u32 $0x1, s1  }
0x8c: {  	s17 =	sshll.u32 s0, $0xA;
	s2 =	sadd.s32 s3, s2  }
0x8d: {  	s2 =	sadd.s32 s2, s17  }
0x8e: {  	[smem:$0x3FBC] =	sst s2  }
0x8f: {  	_ = 	snop  }
0x90: {  	s2 =	sld [smem:$0x3FD0];
	(tm) =	ssettm $0x1  }
0x91: {  	s18 =	sld [smem:$0x3FFB];
	_ =	sdelay $0x3  }
0x92: {  	_ =	strace s18  }
0x93: {  	s3 =	sld [smem:$0x3FFC];
	_ =	sdelay $0x3  }
0x94: {  	_ =	strace s3  }
0x95: {  	s3 =	sld [smem:$0x3FFD];
	_ =	sdelay $0x3  }
0x96: {  	_ =	strace s3  }
0x97: {  	_ =	strace $0x8FFFFFFF  }
0x98: {  	s19 =	sld [smem:$0x3FDB];
	_ =	sdelay $0x1  }
0x99: {  	s4 =	simm.s32 $_scs_section_size  }
0x9a: {  	s5 =	simm.s32 $_size__tile_overlayer_lowered;
	s6 =	simm.s32 $_tile_overlayer_lowered  }
0x9b: {  	s22 =	simm.s32 $0x1BFF;
	s21 =	sshll.u32 s6, $0x1;
	s3 =	sadd.s32 s4, s19  }
0x9c: {  	s7 =	simm.s32 $0x0;
	s20 =	sshll.u32 s5, $0x1;
	s5 =	sadd.s32 s21, s3  }
0x9d: {  	[timem:s7], [sflag:s22] =	dma.local [hbm:s5], s20  }
0x9e: {  	_ =	swait.ge [sflag:s22], s20  }
0x9f: {  	s4 =	ssub.s32 $0x0, s20;
	[sflag:s22] =	ssyncset.done $0x0  }
0xa0: {  	[sflag:s22] =	ssyncadd.s32 s4;
	_ =	sdelay $0x1  }
0xa1: {  	s23 =	simm.s32 $0x1B8B  }
0xa2: {  	_ =	swait.ge [sflag:s23], $0x1  }
0xa3: {  	[sflag:s23] =	ssyncset.done $0x0  }
0xa4: {  	s25 =	simm.s32 $0x1B8E;
	s24 =	sld [smem:$0x3FFE];
	[sflag:s23] =	ssyncadd.s32 $0xFFFFFFFF  }
0xa5: {  	s26 =	simm.s32 $execute0_lowered;
	[smem:$0x3FD2] =	sst s25  }
0xa6: {  	s5 =	sshll.u32 s26, $0x1;
	_ =	strace $0x80000049;
	[dreg:$0x1] =	wrdreg $0xFFFFFFFF  }
0xa7: {  	s28 =	simm.s32 $_size_execute0_lowered;
	s3 =	sadd.s32 s3, s5;
	[dreg:$0x0] =	wrdreg $0x0  }
0xa8: {  	s5 =	sshll.u32 s28, $0x1;
	[dreg:$0x2] =	wrdreg s3  }
0xa9: {  	[dreg:$0x3] =	wrdreg s5  }
0xaa: {  	[dreg:$0x4] =	wrdreg $0xC0  }
0xab: {  	_ =	task [dreg:s7], $0x5FFFF  }
0xac: {  	[dreg:$0x1] =	wrdreg $0xFFFFFFFF  }
0xad: {  	[dreg:$0x0] =	wrdreg $0x60  }
0xae: {  	[dreg:$0x2] =	wrdreg s2  }
0xaf: {  	[dreg:$0x3] =	wrdreg s24  }
0xb0: {  	[dreg:$0x4] =	wrdreg $0x9  }
0xb1: {  	_ =	task.clear_ibuf [dreg:s7], $0x5FFFF;
	_ =	strace $0x90000049  }
0xb2: {  	s29 =	simm.s32 $0x9;
	_ =	strace $0x8000004B  }
0xb3: {  	_ =	swait.ge [sflag:s29], $0x1  }
0xb4: {  	[sflag:s29] =	ssyncadd.s32 $0xFFFFFFFF  }
0xb5: {  	_ =	strace $0x9000004B  }
0xb6: {  	_ =	sfence  }
0xb7: {  	s30 =	sld [smem:$0x0];
	_ =	sdelay $0x2  }
0xb8: {  	s31 =	sshll.u32 s1, $0xD;
	s1 =	sshrl.u32 s1, $0x2  }
0xb9: {  	s3 =	sand.u32 $0x4000, s31;
	s1 =	sadd.s32 s1, s30  }
0xba: {  	s0 =	sor.u32 s3, s0;
	s1 =	sshll.u32 s1, $0x11  }
0xbb: {  	s0 =	sor.u32 s1, s0  }
0xbc: {  	s0 =	sadd.s32 $0x8F2B, s0  }
0xbd: {  	[sflag:s0] =	ssyncadd.remote.s32 $0x1  }
0xbe: {  	_ =	sfence.sel $0xFFFF  }
0xbf: {  	[dreg:$0x0] =	wrdreg $0xFFFFFFFF;
	(pc) =	sbr.abs _section_cstart, $3  }
0xc0: {  	[dreg:$0x1] =	wrdreg $0xFFFFFFFF  }
0xc1: {  	_ =	task.clear_ibuf [dreg:s7], $0x2FFFF;
	_ =	strace $0x9FFFFFFF  }
0xc2: {  	(tm) =	ssettm $0x7FFFFFFF  }
0xc3: {  	_ =	shalt  }
tec
execute0_lowered:
.L_overlay_start_1:
0x0: {  	(tag) =	ssettag $0x1  }
0x1: {  	s3 =	rddreg [dreg:$0x0]  }
0x2: {  	s1 =	srdreg.scid;
	s0 =	stileid.u32  }
0x3: {  	s4 =	rddreg [dreg:$0x1];
	s2 =	simm.s32 $0x0;
	s15 =	simm.s32 $0x19C80  }
0x4: {  	s16 =	simm.s32 $0x1A900;
	s5 =	sand.u32 $0x1, s1;
	s6 =	sshll.u32 s0, $0x1  }
0x5: {  	s17 =	simm.s32 $0x1B580;
	s1 =	rddreg [dreg:$0x2];
	s6 =	sor.u32 s5, s6  }
0x6: {  	s18 =	simm.s32 $0x0;
	[smem:$0x7FF] =	sst s2;
	s7 =	smul.u32 $0xC800, s6  }
0x7: {  	s8 =	sadd.s32 $0x6E7800, s4;
	s5 =	ssub.s32 $0x2, s5;
	s6 =	smul.u32 $0xC80, s6  }
0x8: {  	s9 =	sadd.s32 $0x6E1400, s4;
	_ =	strace $0x8000004A;
	s31 =	sshrl.u32 s5, $0x1  }
0x9: {  	s13 =	ssub.s32 s5, s31;
	s7 =	sshrl.u32 s7, $0x3;
	s10 =	sshrl.u32 s6, $0x3  }
0xa: {  	s11 =	sadd.s32 s7, s4;
	s12 =	sadd.s32 s10, s4;
	s3 =	sadd.s32 s3, s7  }
0xb: {  	s14 =	sadd.s32 $0x3200, s10;
	s5 =	sadd.s32 s8, s10;
	s7 =	sadd.s32 s9, s10  }
0xc: {  	s4 =	sadd.s32 $0x32000, s3;
	s6 =	sadd.s32 s8, s14;
	s8 =	sadd.s32 s9, s14  }
0xd: {  	s9 =	sadd.s32 $0xC6C00, s11;
	s10 =	sadd.s32 $0xF8C00, s12;
	s11 =	smax.u32 s13, $0x1  }
0xe: {  	s12 =	simm.s32 $0x1;
	s13 =	simm.s32 $0xC800;
	s14 =	simm.s32 $0x19000  }
.LBB2_1:
0xf: {  	[tilespmem:s2], [sflag:$0x1] =	stream.linear.gather [hbm4b:s3+s2], $0xC800, $0x38;
	[tilespmem:$0x1C200] =	vst v63  }
0x10: {  	_ =	swait.ge [sflag:s12], $0xC800  }
0x11: {  	[sflag:s12] =	ssyncset.done $0x0  }
0x12: {  	[sflag:s12] =	ssyncadd.s32 $0xFFFF3800  }
0x13: {  	[tilespmem:s13], [sflag:$0x1] =	stream.linear.gather [hbm4b:s4+s2], $0xC800, $0x38;
	[tilespmem:$0x1C200] =	vst v63  }
0x14: {  	_ =	swait.ge [sflag:s12], $0xC800  }
0x15: {  	[sflag:s12] =	ssyncset.done $0x0  }
0x16: {  	[sflag:s12] =	ssyncadd.s32 $0xFFFF3800  }
0x17: {  	[tilespmem:s14], [sflag:$0x1] =	stream.linear.gather [hbm4b:s5+s2], $0xC80, $0x38;
	[tilespmem:$0x1C200] =	vst v63  }
0x18: {  	_ =	swait.ge [sflag:s12], $0xC80  }
0x19: {  	[sflag:s12] =	ssyncset.done $0x0  }
0x1a: {  	[sflag:s12] =	ssyncadd.s32 $0xFFFFF380  }
0x1b: {  	[tilespmem:s15], [sflag:$0x1] =	stream.linear.gather [hbm4b:s6+s2], $0xC80, $0x38;
	[tilespmem:$0x1C200] =	vst v63  }
0x1c: {  	_ =	swait.ge [sflag:s12], $0xC80  }
0x1d: {  	[sflag:s12] =	ssyncset.done $0x0  }
0x1e: {  	[sflag:s12] =	ssyncadd.s32 $0xFFFFF380  }
0x1f: {  	[tilespmem:s16], [sflag:$0x1] =	stream.linear.gather [hbm4b:s7+s2], $0xC80, $0x38;
	[tilespmem:$0x1C200] =	vst v63  }
0x20: {  	_ =	swait.ge [sflag:s12], $0xC80  }
0x21: {  	[sflag:s12] =	ssyncset.done $0x0  }
0x22: {  	[sflag:s12] =	ssyncadd.s32 $0xFFFFF380  }
0x23: {  	[tilespmem:s17], [sflag:$0x1] =	stream.linear.gather [hbm4b:s8+s2], $0xC80, $0x38;
	[tilespmem:$0x1C200] =	vst v63  }
0x24: {  	_ =	swait.ge [sflag:s12], $0xC80  }
0x25: {  	[sflag:s12] =	ssyncset.done $0x0  }
0x26: {  	s19 =	simm.s32 $0x0;
	[sflag:s12] =	ssyncadd.s32 $0xFFFFF380  }
0x27: {  	v0 =	vld [tilespmem:s19+$0x19C80]  }
0x28: {  	v1 =	vld [tilespmem:s19+$0x1B580]  }
0x29: {  	s20 =	simm.s32 $0x40;
	v2 =	vld [tilespmem:s19+$0x19000]  }
.LBB2_2:
0x2a: {  	p0 =	sne.s32 s20, $0x31C0;
	v3 =	vld [tilespmem:s19+$0x1A900];
	_ =	sdelay $0x3  }
0x2b: {  	v0 =	vadd.f32 v0, v2  }
0x2c: {  	v1 =	vadd.f32 v1, v3  }
0x2d: {  	v0 =	vmax.f32 v0, $1.000000000e+00  }
0x2e: {  	v2 =	vshrl.u32 v0, $0x1;
	v0 =	vmul.f32 $5.000000000e-01, v0;
	v1 =	vmax.f32 v1, $1.000000000e+00  }
0x2f: {  	v2 =	vsub.s32 $0x5F3759DF, v2;
	v3 =	vshrl.u32 v1, $0x1;
	v1 =	vmul.f32 $5.000000000e-01, v1  }
0x30: {  	v4 =	vmul.f32 v2, v0;
	v3 =	vsub.s32 $0x5F3759DF, v3  }
0x31: {  	v5 =	vmul.f32 v3, v1  }
0x32: {  	v4 =	vmul.f32 v2, v4  }
0x33: {  	v5 =	vmul.f32 v3, v5  }
0x34: {  	v4 =	vsub.f32 $1.500000000e+00, v4  }
0x35: {  	v5 =	vsub.f32 $1.500000000e+00, v5  }
0x36: {  	v2 =	vmul.f32 v2, v4  }
0x37: {  	v3 =	vmul.f32 v3, v5  }
0x38: {  	v4 =	vmul.f32 v2, v0  }
0x39: {  	v5 =	vmul.f32 v3, v1  }
0x3a: {  	v4 =	vmul.f32 v4, v2  }
0x3b: {  	v5 =	vmul.f32 v5, v3  }
0x3c: {  	v4 =	vsub.f32 $1.500000000e+00, v4  }
0x3d: {  	v5 =	vsub.f32 $1.500000000e+00, v5  }
0x3e: {  	v2 =	vmul.f32 v4, v2  }
0x3f: {  	v3 =	vmul.f32 v5, v3  }
0x40: {  	v4 =	vmul.f32 v2, v0  }
0x41: {  	v5 =	vmul.f32 v3, v1  }
0x42: {  	v4 =	vmul.f32 v4, v2  }
0x43: {  	v5 =	vmul.f32 v5, v3  }
0x44: {  	v4 =	vsub.f32 $1.500000000e+00, v4  }
0x45: {  	v5 =	vsub.f32 $1.500000000e+00, v5  }
0x46: {  	v2 =	vmul.f32 v4, v2  }
0x47: {  	v3 =	vmul.f32 v5, v3  }
0x48: {  	v0 =	vmul.f32 v2, v0  }
0x49: {  	v1 =	vmul.f32 v3, v1  }
0x4a: {  	v0 =	vmul.f32 v0, v2  }
0x4b: {  	v1 =	vmul.f32 v1, v3  }
0x4c: {  	v0 =	vsub.f32 $1.500000000e+00, v0  }
.Ltmp0:
0x4d: {  	v1 =	vsub.f32 $1.500000000e+00, v1;
	(pc) =	sbr.rel @p0 .LBB2_2-.Ltmp0, $4  }
0x4e: {  	s21 =	sshra.s32 s20, $0x2;
	v2 =	vmul.f32 v0, v2  }
0x4f: {  	v0 =	vld [tilespmem:s21+$0x19C80];
	v3 =	vmul.f32 v1, v3  }
0x50: {  	v1 =	vld [tilespmem:s21+$0x1B580];
	[tilespmem:s19+$0x19000] =	vst v2  }
0x51: {  	s20 =	sadd.s32 $0x40, s20;
	v2 =	vld [tilespmem:s21+$0x19000];
	[tilespmem:s19+$0x1A900] =	vst v3;
	s19 =	smov.u32 s21  }
0x52: {  	v3 =	vld [tilespmem:s19+$0x1A900];
	_ =	sdelay $0x3  }
0x53: {  	v0 =	vadd.f32 v0, v2  }
0x54: {  	v1 =	vadd.f32 v1, v3  }
0x55: {  	v0 =	vmax.f32 v0, $1.000000000e+00  }
0x56: {  	v2 =	vshrl.u32 v0, $0x1;
	v0 =	vmul.f32 $5.000000000e-01, v0;
	v1 =	vmax.f32 v1, $1.000000000e+00  }
0x57: {  	v2 =	vsub.s32 $0x5F3759DF, v2;
	v3 =	vshrl.u32 v1, $0x1;
	v1 =	vmul.f32 $5.000000000e-01, v1  }
0x58: {  	v4 =	vmul.f32 v2, v0;
	v3 =	vsub.s32 $0x5F3759DF, v3  }
0x59: {  	v5 =	vmul.f32 v3, v1  }
0x5a: {  	v4 =	vmul.f32 v2, v4  }
0x5b: {  	v5 =	vmul.f32 v3, v5  }
0x5c: {  	v4 =	vsub.f32 $1.500000000e+00, v4  }
0x5d: {  	v5 =	vsub.f32 $1.500000000e+00, v5  }
0x5e: {  	v2 =	vmul.f32 v2, v4  }
0x5f: {  	v3 =	vmul.f32 v3, v5  }
0x60: {  	v4 =	vmul.f32 v2, v0  }
0x61: {  	v5 =	vmul.f32 v3, v1  }
0x62: {  	v4 =	vmul.f32 v4, v2  }
0x63: {  	v5 =	vmul.f32 v5, v3  }
0x64: {  	v4 =	vsub.f32 $1.500000000e+00, v4  }
0x65: {  	v5 =	vsub.f32 $1.500000000e+00, v5  }
0x66: {  	v2 =	vmul.f32 v4, v2  }
0x67: {  	v3 =	vmul.f32 v5, v3  }
0x68: {  	v4 =	vmul.f32 v2, v0  }
0x69: {  	v5 =	vmul.f32 v3, v1  }
0x6a: {  	v4 =	vmul.f32 v4, v2  }
0x6b: {  	v5 =	vmul.f32 v5, v3  }
0x6c: {  	v4 =	vsub.f32 $1.500000000e+00, v4  }
0x6d: {  	v5 =	vsub.f32 $1.500000000e+00, v5  }
0x6e: {  	v2 =	vmul.f32 v4, v2  }
0x6f: {  	v3 =	vmul.f32 v5, v3  }
0x70: {  	v0 =	vmul.f32 v2, v0  }
0x71: {  	v1 =	vmul.f32 v3, v1  }
0x72: {  	v0 =	vmul.f32 v0, v2  }
0x73: {  	v1 =	vmul.f32 v1, v3  }
0x74: {  	v0 =	vsub.f32 $1.500000000e+00, v0  }
0x75: {  	v1 =	vsub.f32 $1.500000000e+00, v1  }
0x76: {  	v0 =	vmul.f32 v0, v2  }
0x77: {  	v1 =	vmul.f32 v1, v3  }
0x78: {  	[tilespmem:s19+$0x19000] =	vst v0  }
0x79: {  	[tilespmem:s19+$0x1A900] =	vst v1;
	s19 =	simm.s32 $0x0  }
0x7a: {  	v11 =	vld [tilespmem:s19+$0xC800]  }
0x7b: {  	v14 =	vld [tilespmem:s19+$0xC810]  }
0x7c: {  	v12 =	vld [tilespmem:s19+$0xC820]  }
0x7d: {  	v15 =	vld [tilespmem:s19+$0xC830]  }
0x7e: {  	v9 =	vld [tilespmem:s19+$0xC840]  }
0x7f: {  	v10 =	vld [tilespmem:s19+$0xC850]  }
0x80: {  	v8 =	vld [tilespmem:s19+$0xC860]  }
0x81: {  	v13 =	vld [tilespmem:s19+$0xC870]  }
0x82: {  	v5 =	vld [tilespmem:s19+$0xC880]  }
0x83: {  	v6 =	vld [tilespmem:s19+$0xC890]  }
0x84: {  	v4 =	vld [tilespmem:s19+$0xC8A0]  }
0x85: {  	v7 =	vld [tilespmem:s19+$0xC8B0]  }
0x86: {  	v1 =	vld [tilespmem:s19+$0xC8C0]  }
0x87: {  	v2 =	vld [tilespmem:s19+$0xC8D0]  }
0x88: {  	v0 =	vld [tilespmem:s19+$0xC8E0]  }
0x89: {  	v3 =	vld [tilespmem:s19+$0xC8F0]  }
0x8a: {  	v16 =	vld [tilespmem:s19+$0x30]  }
0x8b: {  	v17 =	vld [tilespmem:s19+$0x10]  }
0x8c: {  	s20 =	simm.s32 $0x19000;
	s21 =	simm.s32 $0x400;
	v18 =	vld [tilespmem:s19+$0x0]  }
.LBB2_4:
0x8d: {  	p0 =	sne.s32 s21, $0x31C00;
	v19 =	vld [tilespmem:s20+$0x0]  }
0x8e: {  	v20 =	vld [tilespmem:s19+$0x20]  }
0x8f: {  	v21 =	vld [tilespmem:s19+$0x70]  }
0x90: {  	v22 =	vld [tilespmem:s19+$0x50]  }
0x91: {  	v15 =	vadd.f32 v15, v16;
	v14 =	vadd.f32 v14, v17;
	v16 =	vld [tilespmem:s19+$0x40]  }
0x92: {  	v11 =	vadd.f32 v11, v18;
	v17 =	vbroadcast v19, $0x0;
	v18 =	vbroadcast v19, $0x1;
	v23 =	vld [tilespmem:s19+$0x60]  }
0x93: {  	v24 =	vbroadcast v19, $0x3;
	v12 =	vadd.f32 v12, v20;
	v20 =	vbroadcast v19, $0x2;
	v25 =	vld [tilespmem:s19+$0xB0]  }
0x94: {  	v11 =	vmul.f32 v11, v17;
	v14 =	vmul.f32 v14, v18;
	v13 =	vadd.f32 v13, v21;
	v17 =	vld [tilespmem:s19+$0x90]  }
0x95: {  	v15 =	vmul.f32 v15, v24;
	v12 =	vmul.f32 v12, v20;
	v10 =	vadd.f32 v10, v22;
	v18 =	vld [tilespmem:s19+$0x80]  }
0x96: {  	[tilespmem:s19+$0x0] =	vst v11;
	v9 =	vadd.f32 v9, v16;
	v11 =	vbroadcast v19, $0x4;
	v16 =	vbroadcast v19, $0x5;
	v20 =	vld [tilespmem:s19+$0xA0]  }
0x97: {  	v21 =	vbroadcast v19, $0x7;
	[tilespmem:s19+$0x10] =	vst v14;
	v8 =	vadd.f32 v8, v23;
	v14 =	vbroadcast v19, $0x6;
	v22 =	vld [tilespmem:s19+$0xF0]  }
0x98: {  	[tilespmem:s19+$0x20] =	vst v12;
	v9 =	vmul.f32 v9, v11;
	v10 =	vmul.f32 v10, v16;
	v7 =	vadd.f32 v7, v25;
	v16 =	vld [tilespmem:s19+$0xD0]  }
0x99: {  	v13 =	vmul.f32 v13, v21;
	[tilespmem:s19+$0x30] =	vst v15;
	v8 =	vmul.f32 v8, v14;
	v6 =	vadd.f32 v6, v17;
	v17 =	vld [tilespmem:s19+$0xC0]  }
0x9a: {  	s22 =	sshra.s32 s21, $0x2;
	v12 =	vbroadcast v19, $0x9;
	[tilespmem:s19+$0x40] =	vst v9;
	v5 =	vadd.f32 v5, v18;
	v9 =	vbroadcast v19, $0x8;
	v18 =	vld [tilespmem:s19+$0xE0]  }
0x9b: {  	v15 =	vbroadcast v19, $0xB;
	v11 =	vld [tilespmem:s22+$0xC800];
	[tilespmem:s19+$0x50] =	vst v10;
	v4 =	vadd.f32 v4, v20;
	v10 =	vbroadcast v19, $0xA  }
0x9c: {  	v6 =	vmul.f32 v6, v12;
	v14 =	vld [tilespmem:s22+$0xC810];
	[tilespmem:s19+$0x60] =	vst v8;
	v5 =	vmul.f32 v5, v9;
	v3 =	vadd.f32 v3, v22  }
0x9d: {  	v7 =	vmul.f32 v7, v15;
	v12 =	vld [tilespmem:s22+$0xC820];
	[tilespmem:s19+$0x70] =	vst v13;
	v4 =	vmul.f32 v4, v10;
	v2 =	vadd.f32 v2, v16  }
0x9e: {  	v8 =	vbroadcast v19, $0xD;
	v15 =	vld [tilespmem:s22+$0xC830];
	[tilespmem:s19+$0x80] =	vst v5;
	v1 =	vadd.f32 v1, v17;
	v5 =	vbroadcast v19, $0xC  }
0x9f: {  	v13 =	vbroadcast v19, $0xF;
	v9 =	vld [tilespmem:s22+$0xC840];
	[tilespmem:s19+$0x90] =	vst v6;
	v0 =	vadd.f32 v0, v18;
	v6 =	vbroadcast v19, $0xE  }
0xa0: {  	v2 =	vmul.f32 v2, v8;
	v10 =	vld [tilespmem:s22+$0xC850];
	[tilespmem:s19+$0xA0] =	vst v4;
	v1 =	vmul.f32 v1, v5  }
0xa1: {  	v3 =	vmul.f32 v3, v13;
	v8 =	vld [tilespmem:s22+$0xC860];
	[tilespmem:s19+$0xB0] =	vst v7;
	v0 =	vmul.f32 v0, v6  }
0xa2: {  	v13 =	vld [tilespmem:s22+$0xC870];
	[tilespmem:s19+$0xC0] =	vst v1  }
0xa3: {  	v5 =	vld [tilespmem:s22+$0xC880];
	[tilespmem:s19+$0xD0] =	vst v2  }
0xa4: {  	v6 =	vld [tilespmem:s22+$0xC890];
	[tilespmem:s19+$0xE0] =	vst v0  }
0xa5: {  	v4 =	vld [tilespmem:s22+$0xC8A0];
	[tilespmem:s19+$0xF0] =	vst v3;
	s19 =	smov.u32 s22  }
0xa6: {  	v7 =	vld [tilespmem:s19+$0xC8B0]  }
0xa7: {  	v1 =	vld [tilespmem:s19+$0xC8C0]  }
0xa8: {  	v2 =	vld [tilespmem:s19+$0xC8D0]  }
.Ltmp1:
0xa9: {  	v0 =	vld [tilespmem:s19+$0xC8E0];
	(pc) =	sbr.rel @p0 .LBB2_4-.Ltmp1, $4  }
0xaa: {  	v3 =	vld [tilespmem:s19+$0xC8F0]  }
0xab: {  	v16 =	vld [tilespmem:s19+$0x30]  }
0xac: {  	v17 =	vld [tilespmem:s19+$0x10]  }
0xad: {  	s21 =	sadd.s32 $0x400, s21;
	s20 =	sadd.s32 $0x10, s20;
	v18 =	vld [tilespmem:s19+$0x0]  }
0xae: {  	v19 =	vld [tilespmem:s20+$0x0];
	_ =	sdelay $0x1  }
0xaf: {  	v20 =	vld [tilespmem:s19+$0x20];
	_ =	sdelay $0x1  }
0xb0: {  	v23 =	vld [tilespmem:s19+$0x40]  }
0xb1: {  	v22 =	vld [tilespmem:s19+$0x50];
	v11 =	vadd.f32 v11, v18;
	v41 =	vbroadcast v19, $0x0  }
0xb2: {  	v24 =	vld [tilespmem:s19+$0x60];
	v14 =	vadd.f32 v14, v17;
	v42 =	vbroadcast v19, $0x1  }
0xb3: {  	v21 =	vld [tilespmem:s19+$0x70];
	v12 =	vadd.f32 v12, v20;
	v44 =	vbroadcast v19, $0x2;
	v11 =	vmul.f32 v11, v41  }
0xb4: {  	v26 =	vld [tilespmem:s19+$0x80];
	v15 =	vadd.f32 v15, v16;
	v46 =	vbroadcast v19, $0x3;
	v14 =	vmul.f32 v14, v42  }
0xb5: {  	v43 =	vld [tilespmem:s19+$0x90];
	v9 =	vadd.f32 v9, v23;
	v48 =	vbroadcast v19, $0x4;
	v12 =	vmul.f32 v12, v44;
	[tilespmem:s19+$0x0] =	vst v11  }
0xb6: {  	v45 =	vld [tilespmem:s19+$0xA0];
	v10 =	vadd.f32 v10, v22;
	v50 =	vbroadcast v19, $0x5;
	v15 =	vmul.f32 v15, v46;
	[tilespmem:s19+$0x10] =	vst v14  }
0xb7: {  	v25 =	vld [tilespmem:s19+$0xB0];
	v8 =	vadd.f32 v8, v24;
	v51 =	vbroadcast v19, $0x6;
	v9 =	vmul.f32 v9, v48;
	[tilespmem:s19+$0x20] =	vst v12  }
0xb8: {  	v52 =	vld [tilespmem:s19+$0xC0];
	v13 =	vadd.f32 v13, v21;
	v53 =	vbroadcast v19, $0x7;
	v10 =	vmul.f32 v10, v50;
	[tilespmem:s19+$0x30] =	vst v15  }
0xb9: {  	v49 =	vld [tilespmem:s19+$0xD0];
	v5 =	vadd.f32 v5, v26;
	v54 =	vbroadcast v19, $0x8;
	v8 =	vmul.f32 v8, v51;
	[tilespmem:s19+$0x40] =	vst v9  }
0xba: {  	v55 =	vld [tilespmem:s19+$0xE0];
	v6 =	vadd.f32 v6, v43;
	v56 =	vbroadcast v19, $0x9;
	v13 =	vmul.f32 v13, v53;
	[tilespmem:s19+$0x50] =	vst v10  }
0xbb: {  	v47 =	vld [tilespmem:s19+$0xF0];
	v4 =	vadd.f32 v4, v45;
	v57 =	vbroadcast v19, $0xA;
	v5 =	vmul.f32 v5, v54;
	[tilespmem:s19+$0x60] =	vst v8  }
0xbc: {  	v7 =	vadd.f32 v7, v25;
	v58 =	vbroadcast v19, $0xB;
	v6 =	vmul.f32 v6, v56;
	[tilespmem:s19+$0x70] =	vst v13  }
0xbd: {  	v1 =	vadd.f32 v1, v52;
	v59 =	vbroadcast v19, $0xC;
	v4 =	vmul.f32 v4, v57;
	[tilespmem:s19+$0x80] =	vst v5  }
0xbe: {  	v2 =	vadd.f32 v2, v49;
	v60 =	vbroadcast v19, $0xD;
	v7 =	vmul.f32 v7, v58;
	[tilespmem:s19+$0x90] =	vst v6  }
0xbf: {  	v0 =	vadd.f32 v0, v55;
	v61 =	vbroadcast v19, $0xE;
	v1 =	vmul.f32 v1, v59;
	[tilespmem:s19+$0xA0] =	vst v4  }
0xc0: {  	v3 =	vadd.f32 v3, v47;
	v62 =	vbroadcast v19, $0xF;
	v2 =	vmul.f32 v2, v60;
	[tilespmem:s19+$0xB0] =	vst v7  }
0xc1: {  	v0 =	vmul.f32 v0, v61;
	[tilespmem:s19+$0xC0] =	vst v1  }
0xc2: {  	v63 =	vmul.f32 v3, v62;
	[tilespmem:s19+$0xD0] =	vst v2  }
0xc3: {  	[tilespmem:s19+$0xE0] =	vst v0  }
0xc4: {  	[tilespmem:s19+$0xF0] =	vst v63  }
0xc5: {  	[hbm4b:s9+s2] =	stream.linear.scatter [tilespmem:s2], [sflag:$0x1], $0xC800, $0x38;
	[tilespmem:$0x1C200] =	vst v63  }
0xc6: {  	s18 =	sadd.s32 $0x1, s18;
	_ =	swait.ge [sflag:s12], $0xC800  }
0xc7: {  	p0 =	sne.s32 s18, s11;
	[sflag:s12] =	ssyncset.done $0x0  }
.Ltmp2:
0xc8: {  	[sflag:s12] =	ssyncadd.s32 $0xFFFF3800;
	(pc) =	sbr.rel @p0 .LBB2_1-.Ltmp2, $4  }
0xc9: {  	[hbm4b:s10+s2] =	stream.linear.scatter [tilespmem:s16], [sflag:$0x1], $0xC80, $0x38;
	[tilespmem:$0x1C200] =	vst v63  }
0xca: {  	_ =	swait.ge [sflag:s12], $0xC80  }
0xcb: {  	[sflag:s12] =	ssyncset.done $0x0  }
0xcc: {  	[sflag:s12] =	ssyncadd.s32 $0xFFFFF380  }
0xcd: {  	_ =	sfence.sel $0x180000  }
0xce: {  	[bflag:$0x0] =	sbarrier.arrive $0xFFFF  }
0xcf: {  	p0 =	sne.s32 s0, $0x0;
	_ =	strace $0x9000004A  }
0xd0: {  	s0 =	sadd.s32 @!p0 $0x100000, s1;
	[bflag:$0x2] =	sbarrier.arrive $0xFFFF  }
0xd1: {  	[sflag:s0] =	ssyncadd.tile.s32 @!p0 $0x1;
	_ =	shalt  }
.Lfunc_end2:
_tile_overlayer_lowered:
.L_overlay_start_2:
0xd2: {  	(tag) =	ssettag $0x2  }
0xd3: {  	s0 =	rddreg [dreg:$0x0];
	s2 =	stileid.u32  }
0xd4: {  	s1 =	rddreg [dreg:$0x1];
	p0 =	sne.s32 s2, $0x0  }
0xd5: {  	s3 =	rddreg [dreg:$0x2];
	[bflag:$0x3] =	sbarrier.arrive $0xFFFF;
	s2 =	simm.s32 @!p0 $0x1C01  }
0xd6: {  	[timem:s3], [sflag:s2] =	dma.local @!p0 [hbm:s0], s1  }
0xd7: {  	s0 =	simm.s32 @!p0 $0x1  }
0xd8: {  	_ =	swait.ge @!p0 [sflag:s0], s1  }
0xd9: {  	s1 =	ssub.s32 @!p0 $0x0, s1;
	[sflag:s0] =	ssyncset.done @!p0 $0x0  }
0xda: {  	[sflag:s0] =	ssyncadd.s32 @!p0 s1  }
0xdb: {  	[bflag:$0x3] =	sbarrier.arrive $0xFFFF  }
0xdc: {  	_ =	shalt  }

// kernel: kernel.13.cloned.1.call-start
scs
__scs_entry_jumppad:
0x0: {  	(pc) =	sbr.rel $0x88, $3  }
0x1: {  	(tag) =	ssettag $0x0;
	lr =	simm.s32 $0x1  }
0x2: {  	[smem:$0x3F95] =	sst lr;
	_ =	strace $0xD0000000  }
0x3: {  	_ = 	snop  }
0x4: {  	_ = 	snop  }
0x5: {  	_ = 	snop  }
0x6: {  	_ = 	snop  }
0x7: {  	_ = 	snop  }
__scs_overlays_trampoline_lowered:
0x8: {  	[smem:$0x3FA4] =	sst s0  }
0x9: {  	[smem:$0x3FA5] =	sst s1  }
0xa: {  	[smem:$0x3FA6] =	sst s2  }
0xb: {  	[smem:$0x3FA7] =	sst s3  }
0xc: {  	[smem:$0x3FA8] =	sst s4  }
0xd: {  	[smem:$0x3FA9] =	sst s5  }
0xe: {  	[smem:$0x3FAA] =	sst s6  }
0xf: {  	[smem:$0x3FAB] =	sst s7  }
0x10: {  	[smem:$0x3FAC] =	sst s8  }
0x11: {  	[smem:$0x3FAD] =	sst s9;
	s0 =	simm.s32 @!p0 $0x0  }
0x12: {  	s1 =	sld [smem:$0x3F93];
	s0 =	simm.s32 @p0 $0x1  }
0x13: {  	[smem:$0x3FAE] =	sst s0;
	s0 =	simm.s32 @!p1 $0x0  }
0x14: {  	s2 =	sld [smem:$0x3F92];
	s0 =	simm.s32 @p1 $0x1  }
0x15: {  	[smem:$0x3FAF] =	sst s0;
	s0 =	simm.s32 @!p2 $0x0  }
0x16: {  	s3 =	sld [smem:$0x3FDB];
	s0 =	simm.s32 @p2 $0x1  }
0x17: {  	s4 =	simm.s32 $0x1BF5;
	[smem:$0x3FB1] =	sst s0  }
0x18: {  	s0 =	sld [smem:$0x3F94];
	_ =	swait.ge [sflag:s4], $0x0  }
0x19: {  	s7 =	sld [smem:$0x3F95]  }
0x1a: {  	s8 =	sadd.s32 $0xFFFFE003, lr  }
0x1b: {  	s9 =	sadd.s32 $0xFFFFFEF7, lr;
	s5 =	simm.s32 $0xFFFFFFFF;
	p2 =	slt.u32 s8, $0xFFFFF086  }
0x1c: {  	p1 =	slt.u32 s9, $0xF7A;
	s5 =	simm.s32 @!p2 $0x0  }
0x1d: {  	s5 =	simm.s32 @p1 $0x1;
	p0 =	seq.s32 s7, s2  }
0x1e: {  	s7 =	smul.u32 @!p0 $0xF7A, s2;
	p2 =	seq.s32 @!p0 s5, $0x0  }
0x1f: {  	s9 =	smul.u32 $0xF7A, s1;
	s8 =	simm.s32 @!p0 $0x1BF5;
	p2 =	por !p2, p0  }
0x20: {  	[sflag:s8] =	ssyncset.s32 @!p0 $0xFFFFF086;
	s6 =	sadd.s32 @!p0 s3, s7;
	s7 =	simm.s32 @!p0 $0x108  }
0x21: {  	s3 =	sadd.s32 s3, s9;
	s6 =	sadd.s32 @!p0 $0x88, s6;
	s7 =	simm.s32 @p2 $0x1082  }
0x22: {  	[simem:s7], [sflag:s8] =	dma.local @!p0 [hbm:s6], $0xF7A  }
0x23: {  	s9 =	sor.u32 $0xD0000000, s2;
	s6 =	simm.s32 $0x108;
	_ =	swait.ge @!p0 [sflag:s8], $0x0  }
0x24: {  	s3 =	sadd.s32 $0x88, s3;
	s6 =	simm.s32 @!p1 $0x1082;
	[sflag:s4] =	ssyncset.s32 $0xFFFFF086  }
0x25: {  	[simem:s6], [sflag:s4] =	dma.local [hbm:s3], $0xF7A  }
0x26: {  	[smem:$0x3F95] =	sst s1;
	(tag) =	ssettag s2;
	_ =	strace s9  }
0x27: {  	s1 =	sld [smem:$0x3FA5]  }
0x28: {  	s2 =	sld [smem:$0x3FA6]  }
0x29: {  	s4 =	sld [smem:$0x3FA8]  }
0x2a: {  	p0 =	seq.s32 s5, $0x0;
	s5 =	sld [smem:$0x3FA9]  }
0x2b: {  	s6 =	sld [smem:$0x3FAA]  }
0x2c: {  	s7 =	sld [smem:$0x3FAB]  }
0x2d: {  	s3 =	simm.s32 $0x108;
	s8 =	sld [smem:$0x3FAC]  }
0x2e: {  	s3 =	simm.s32 @!p0 $0x1082;
	s9 =	sld [smem:$0x3FAD]  }
0x2f: {  	lr =	sadd.s32 s0, s3;
	s0 =	sld [smem:$0x3FA4]  }
0x30: {  	s3 =	sld [smem:$0x3FA7]  }
0x31: {  	[smem:$0x3FB0] =	sst s10  }
0x32: {  	s10 =	sld [smem:$0x3FAE];
	_ =	sdelay $0x3  }
0x33: {  	p0 =	seq.s32 s10, $0x1;
	s10 =	sld [smem:$0x3FB0];
	_ =	sdelay $0x3  }
0x34: {  	[smem:$0x3FB0] =	sst s10  }
0x35: {  	s10 =	sld [smem:$0x3FAF];
	_ =	sdelay $0x3  }
0x36: {  	p1 =	seq.s32 s10, $0x1;
	s10 =	sld [smem:$0x3FB0];
	_ =	sdelay $0x3  }
0x37: {  	[smem:$0x3FB0] =	sst s10  }
0x38: {  	s10 =	sld [smem:$0x3FB1]  }
0x39: {  	_ = 	snop;
	(pc) =	sbr.ind lr, $3  }
0x3a: {  	_ = 	snop  }
0x3b: {  	_ = 	snop  }
0x3c: {  	p2 =	seq.s32 s10, $0x1;
	s10 =	sld [smem:$0x3FB0]  }
0x3d: {  	_ =	shalt  }
0x3e: {  	_ =	shalt  }
0x3f: {  	_ =	shalt  }
0x40: {  	_ =	shalt  }
0x41: {  	_ =	shalt  }
0x42: {  	_ =	shalt  }
0x43: {  	_ =	shalt  }
0x44: {  	_ =	shalt  }
0x45: {  	_ =	shalt  }
0x46: {  	_ =	shalt  }
0x47: {  	_ =	shalt  }
0x48: {  	_ =	shalt  }
0x49: {  	_ =	shalt  }
0x4a: {  	_ =	shalt  }
0x4b: {  	_ =	shalt  }
0x4c: {  	_ =	shalt  }
0x4d: {  	_ =	shalt  }
0x4e: {  	_ =	shalt  }
0x4f: {  	_ =	shalt  }
0x50: {  	_ =	shalt  }
0x51: {  	_ =	shalt  }
0x52: {  	_ =	shalt  }
0x53: {  	_ =	shalt  }
0x54: {  	_ =	shalt  }
0x55: {  	_ =	shalt  }
0x56: {  	_ =	shalt  }
0x57: {  	_ =	shalt  }
0x58: {  	_ =	shalt  }
0x59: {  	_ =	shalt  }
0x5a: {  	_ =	shalt  }
0x5b: {  	_ =	shalt  }
0x5c: {  	_ =	shalt  }
0x5d: {  	_ =	shalt  }
0x5e: {  	_ =	shalt  }
0x5f: {  	_ =	shalt  }
0x60: {  	_ =	shalt  }
0x61: {  	_ =	shalt  }
0x62: {  	_ =	shalt  }
0x63: {  	_ =	shalt  }
0x64: {  	_ =	shalt  }
0x65: {  	_ =	shalt  }
0x66: {  	_ =	shalt  }
0x67: {  	_ =	shalt  }
0x68: {  	_ =	shalt  }
0x69: {  	_ =	shalt  }
0x6a: {  	_ =	shalt  }
0x6b: {  	_ =	shalt  }
0x6c: {  	_ =	shalt  }
0x6d: {  	_ =	shalt  }
0x6e: {  	_ =	shalt  }
0x6f: {  	_ =	shalt  }
0x70: {  	_ =	shalt  }
0x71: {  	_ =	shalt  }
0x72: {  	_ =	shalt  }
0x73: {  	_ =	shalt  }
0x74: {  	_ =	shalt  }
0x75: {  	_ =	shalt  }
0x76: {  	_ =	shalt  }
0x77: {  	_ =	shalt  }
0x78: {  	_ =	shalt  }
0x79: {  	_ =	shalt  }
0x7a: {  	_ =	shalt  }
0x7b: {  	_ =	shalt  }
0x7c: {  	_ =	shalt  }
0x7d: {  	_ =	shalt  }
0x7e: {  	_ =	shalt  }
0x7f: {  	_ =	shalt  }
0x80: {  	_ =	shalt  }
0x81: {  	_ =	shalt  }
0x82: {  	_ =	shalt  }
0x83: {  	_ =	shalt  }
0x84: {  	_ =	shalt  }
0x85: {  	_ =	shalt  }
0x86: {  	_ =	shalt  }
0x87: {  	_ =	shalt  }
.Lfunc_end0:
.L_simem_size_0:
called_computation.2_lowered:
.L_overlay_start_0:
0x88: {  	s2 =	sld [smem:$0x3FD9]  }
0x89: {  	s3 =	sld [smem:$0x3FFE];
	_ =	sdelay $0x1  }
0x8a: {  	s1 =	srdreg.scid  }
0x8b: {  	s0 =	sand.u32 $0x1, s1  }
0x8c: {  	s17 =	sshll.u32 s0, $0xA;
	s2 =	sadd.s32 s3, s2  }
0x8d: {  	s2 =	sadd.s32 s2, s17  }
0x8e: {  	[smem:$0x3FBC] =	sst s2  }
0x8f: {  	_ = 	snop  }
0x90: {  	s2 =	sld [smem:$0x3FD0];
	(tm) =	ssettm $0x1  }
0x91: {  	s18 =	sld [smem:$0x3FFB];
	_ =	sdelay $0x3  }
0x92: {  	_ =	strace s18  }
0x93: {  	s3 =	sld [smem:$0x3FFC];
	_ =	sdelay $0x3  }
0x94: {  	_ =	strace s3  }
0x95: {  	s3 =	sld [smem:$0x3FFD];
	_ =	sdelay $0x3  }
0x96: {  	_ =	strace s3  }
0x97: {  	_ =	strace $0x8FFFFFFF  }
0x98: {  	s19 =	sld [smem:$0x3FDB];
	_ =	sdelay $0x1  }
0x99: {  	s4 =	simm.s32 $_scs_section_size  }
0x9a: {  	s5 =	simm.s32 $_size__tile_overlayer_lowered;
	s6 =	simm.s32 $_tile_overlayer_lowered  }
0x9b: {  	s22 =	simm.s32 $0x1BFF;
	s21 =	sshll.u32 s6, $0x1;
	s3 =	sadd.s32 s4, s19  }
0x9c: {  	s7 =	simm.s32 $0x0;
	s20 =	sshll.u32 s5, $0x1;
	s5 =	sadd.s32 s21, s3  }
0x9d: {  	[timem:s7], [sflag:s22] =	dma.local [hbm:s5], s20  }
0x9e: {  	_ =	swait.ge [sflag:s22], s20  }
0x9f: {  	s4 =	ssub.s32 $0x0, s20;
	[sflag:s22] =	ssyncset.done $0x0  }
0xa0: {  	[sflag:s22] =	ssyncadd.s32 s4;
	_ =	sdelay $0x1  }
0xa1: {  	s23 =	simm.s32 $0x1B8B  }
0xa2: {  	_ =	swait.ge [sflag:s23], $0x1  }
0xa3: {  	[sflag:s23] =	ssyncset.done $0x0  }
0xa4: {  	s25 =	simm.s32 $0x1B8E;
	s24 =	sld [smem:$0x3FFE];
	[sflag:s23] =	ssyncadd.s32 $0xFFFFFFFF  }
0xa5: {  	s26 =	simm.s32 $execute0_lowered;
	[smem:$0x3FD2] =	sst s25  }
0xa6: {  	s5 =	sshll.u32 s26, $0x1;
	_ =	strace $0x8000004C;
	[dreg:$0x1] =	wrdreg $0xFFFFFFFF  }
0xa7: {  	s28 =	simm.s32 $_size_execute0_lowered;
	s3 =	sadd.s32 s3, s5;
	[dreg:$0x0] =	wrdreg $0x0  }
0xa8: {  	s5 =	sshll.u32 s28, $0x1;
	[dreg:$0x2] =	wrdreg s3  }
0xa9: {  	[dreg:$0x3] =	wrdreg s5  }
0xaa: {  	[dreg:$0x4] =	wrdreg $0xC0  }
0xab: {  	_ =	task [dreg:s7], $0x5FFFF  }
0xac: {  	[dreg:$0x1] =	wrdreg $0xFFFFFFFF  }
0xad: {  	[dreg:$0x0] =	wrdreg $0x60  }
0xae: {  	[dreg:$0x2] =	wrdreg s24  }
0xaf: {  	[dreg:$0x3] =	wrdreg s2  }
0xb0: {  	[dreg:$0x4] =	wrdreg $0x0  }
0xb1: {  	[dreg:$0x5] =	wrdreg $0x9  }
0xb2: {  	_ =	task.clear_ibuf [dreg:s7], $0x6FFFF;
	_ =	strace $0x9000004C  }
0xb3: {  	s29 =	simm.s32 $0x9;
	_ =	strace $0x8000004E  }
0xb4: {  	_ =	swait.ge [sflag:s29], $0x1  }
0xb5: {  	[sflag:s29] =	ssyncadd.s32 $0xFFFFFFFF  }
0xb6: {  	_ =	strace $0x9000004E  }
0xb7: {  	_ =	sfence  }
0xb8: {  	s30 =	sld [smem:$0x0];
	_ =	sdelay $0x2  }
0xb9: {  	s31 =	sshll.u32 s1, $0xD;
	s1 =	sshrl.u32 s1, $0x2  }
0xba: {  	s3 =	sand.u32 $0x4000, s31;
	s1 =	sadd.s32 s1, s30  }
0xbb: {  	s0 =	sor.u32 s3, s0;
	s1 =	sshll.u32 s1, $0x11  }
0xbc: {  	s0 =	sor.u32 s1, s0  }
0xbd: {  	s0 =	sadd.s32 $0x8F2B, s0  }
0xbe: {  	[sflag:s0] =	ssyncadd.remote.s32 $0x1  }
0xbf: {  	_ =	sfence.sel $0xFFFF  }
0xc0: {  	[dreg:$0x0] =	wrdreg $0xFFFFFFFF;
	(pc) =	sbr.abs _section_cstart, $3  }
0xc1: {  	[dreg:$0x1] =	wrdreg $0xFFFFFFFF  }
0xc2: {  	_ =	task.clear_ibuf [dreg:s7], $0x2FFFF;
	_ =	strace $0x9FFFFFFF  }
0xc3: {  	(tm) =	ssettm $0x7FFFFFFF  }
tec
execute0_lowered:
.L_overlay_start_1:
0x0: {  	(tag) =	ssettag $0x1  }
0x1: {  	s0 =	rddreg [dreg:$0x0]  }
0x2: {  	s1 =	rddreg [dreg:$0x1]  }
0x3: {  	s3 =	srdreg.scid;
	s9 =	stileid.u32  }
0x4: {  	s2 =	rddreg [dreg:$0x2];
	s28 =	simm.s32 $0x2;
	s4 =	smul.u32 $0x30D40, s9  }
0x5: {  	s29 =	simm.s32 $0x1CE80;
	s30 =	simm.s32 $0x1D268;
	s8 =	smul.u32 $0x19000, s9  }
0x6: {  	s5 =	sand.u32 $0x1, s3;
	s3 =	simm.s32 $0x0;
	s9 =	smul.u32 $0x64000, s9  }
0x7: {  	s31 =	simm.s32 $0x3E8;
	s6 =	smul.u32 $0x186A0, s5;
	[smem:$0x7FF] =	sst s3  }
0x8: {  	s7 =	smul.u32 $0x190000, s5;
	s5 =	ssub.s32 $0x2, s5;
	_ =	strace $0x8000004D  }
0x9: {  	s26 =	sshrl.u32 s5, $0x1;
	s9 =	sshrl.u32 s9, $0x2;
	s10 =	sadd.s32 s8, s2  }
0xa: {  	s6 =	sadd.s32 s6, s4;
	s4 =	sadd.s32 $0xC6C00, s0;
	s5 =	ssub.s32 s5, s26  }
0xb: {  	s25 =	sadd.s32 s8, s7;
	s6 =	sshrl.u32 s6, $0x3;
	s5 =	smax.u32 s5, $0x1  }
0xc: {  	s0 =	sadd.s32 s6, s0;
	s6 =	sshrl.u32 s25, $0x3;
	[dreg:$0x5] =	wrdreg s5  }
0xd: {  	s1 =	sadd.s32 s1, s6;
	s6 =	sadd.s32 s9, s2;
	s23 =	sadd.s32 $0x65000, s0  }
0xe: {  	[dreg:$0x4] =	wrdreg s1;
	s24 =	sadd.s32 $0x1900, s6;
	s25 =	sadd.s32 $0x3200, s6  }
0xf: {  	s26 =	sadd.s32 $0x4B00, s6;
	s11 =	sadd.s32 $0x6400, s6;
	s12 =	sadd.s32 $0x7D00, s6  }
0x10: {  	s13 =	sadd.s32 $0x9600, s6;
	s14 =	sadd.s32 $0xAF00, s6;
	s15 =	sadd.s32 $0xC800, s6  }
0x11: {  	s16 =	sadd.s32 $0xE100, s6;
	s17 =	sadd.s32 $0xFA00, s6;
	s18 =	sadd.s32 $0x11300, s6  }
0x12: {  	s19 =	sadd.s32 $0x12C00, s6;
	s20 =	sadd.s32 $0x14500, s6;
	[dreg:$0x6] =	wrdreg s24  }
0x13: {  	s21 =	sadd.s32 $0x15E00, s6;
	s22 =	sadd.s32 $0x17700, s6;
	[dreg:$0x7] =	wrdreg s25  }
0x14: {  	s1 =	simm.s32 $0x1;
	[dreg:$0x8] =	wrdreg s26;
	s24 =	sadd.s32 $0x3400, s0  }
0x15: {  	v0 =	vimm.f32 $0.0e+00;
	s25 =	sshrl.u32 s10, $0x3;
	s26 =	simm.s32 $0x19000;
	s0 =	simm.s32 $0x0  }
.LBB2_1:
0x16: {  	s5 =	simm.s32 $0x40;
	s7 =	simm.s32 $0x0  }
.LBB2_2:
0x17: {  	p0 =	sne.s32 s5, $0x63C0;
	[tilespmem:s7+$0x19000] =	vst v0;
	s7 =	smov.u32 s5;
	s5 =	sadd.s32 $0x40, s5  }
.Ltmp0:
0x18: {  	(pc) =	sbr.rel @p0 .LBB2_2-.Ltmp0, $2  }
0x19: {  	_ =	sdelay $0x2  }
0x1a: {  	s7 =	sshra.s32 s7, $0x2  }
0x1b: {  	[tilespmem:s7+$0x19000] =	vst v0  }
0x1c: {  	[spmem:s6] =	stream.linear.scatter [tilespmem:s26], [sflag:$0x2], $0x1900, $0x38;
	[tilespmem:$0x1D650] =	vst v63  }
0x1d: {  	_ =	swait.ge [sflag:s28], $0x1900  }
0x1e: {  	[sflag:s28] =	ssyncset.done $0x0  }
0x1f: {  	s5 =	rddreg [dreg:$0x6];
	[sflag:s28] =	ssyncadd.s32 $0xFFFFE700  }
0x20: {  	[spmem:s5] =	stream.linear.scatter [tilespmem:s26], [sflag:$0x2], $0x1900, $0x38;
	[tilespmem:$0x1D650] =	vst v63  }
0x21: {  	_ =	swait.ge [sflag:s28], $0x1900  }
0x22: {  	[sflag:s28] =	ssyncset.done $0x0  }
0x23: {  	s7 =	rddreg [dreg:$0x7];
	[sflag:s28] =	ssyncadd.s32 $0xFFFFE700  }
0x24: {  	[spmem:s7] =	stream.linear.scatter [tilespmem:s26], [sflag:$0x2], $0x1900, $0x38;
	[tilespmem:$0x1D650] =	vst v63  }
0x25: {  	_ =	swait.ge [sflag:s28], $0x1900  }
0x26: {  	[sflag:s28] =	ssyncset.done $0x0  }
0x27: {  	s8 =	rddreg [dreg:$0x8];
	[sflag:s28] =	ssyncadd.s32 $0xFFFFE700  }
0x28: {  	[spmem:s8] =	stream.linear.scatter [tilespmem:s26], [sflag:$0x2], $0x1900, $0x38;
	[tilespmem:$0x1D650] =	vst v63  }
0x29: {  	_ =	swait.ge [sflag:s28], $0x1900  }
0x2a: {  	[sflag:s28] =	ssyncset.done $0x0  }
0x2b: {  	[sflag:s28] =	ssyncadd.s32 $0xFFFFE700  }
0x2c: {  	[spmem:s11] =	stream.linear.scatter [tilespmem:s26], [sflag:$0x2], $0x1900, $0x38;
	[tilespmem:$0x1D650] =	vst v63  }
0x2d: {  	_ =	swait.ge [sflag:s28], $0x1900  }
0x2e: {  	[sflag:s28] =	ssyncset.done $0x0  }
0x2f: {  	[sflag:s28] =	ssyncadd.s32 $0xFFFFE700  }
0x30: {  	[spmem:s12] =	stream.linear.scatter [tilespmem:s26], [sflag:$0x2], $0x1900, $0x38;
	[tilespmem:$0x1D650] =	vst v63  }
0x31: {  	_ =	swait.ge [sflag:s28], $0x1900  }
0x32: {  	[sflag:s28] =	ssyncset.done $0x0  }
0x33: {  	[sflag:s28] =	ssyncadd.s32 $0xFFFFE700  }
0x34: {  	[spmem:s13] =	stream.linear.scatter [tilespmem:s26], [sflag:$0x2], $0x1900, $0x38;
	[tilespmem:$0x1D650] =	vst v63  }
0x35: {  	_ =	swait.ge [sflag:s28], $0x1900  }
0x36: {  	[sflag:s28] =	ssyncset.done $0x0  }
0x37: {  	[sflag:s28] =	ssyncadd.s32 $0xFFFFE700  }
0x38: {  	[spmem:s14] =	stream.linear.scatter [tilespmem:s26], [sflag:$0x2], $0x1900, $0x38;
	[tilespmem:$0x1D650] =	vst v63  }
0x39: {  	_ =	swait.ge [sflag:s28], $0x1900  }
0x3a: {  	[sflag:s28] =	ssyncset.done $0x0  }
0x3b: {  	[sflag:s28] =	ssyncadd.s32 $0xFFFFE700  }
0x3c: {  	[spmem:s15] =	stream.linear.scatter [tilespmem:s26], [sflag:$0x2], $0x1900, $0x38;
	[tilespmem:$0x1D650] =	vst v63  }
0x3d: {  	_ =	swait.ge [sflag:s28], $0x1900  }
0x3e: {  	[sflag:s28] =	ssyncset.done $0x0  }
0x3f: {  	[sflag:s28] =	ssyncadd.s32 $0xFFFFE700  }
0x40: {  	[spmem:s16] =	stream.linear.scatter [tilespmem:s26], [sflag:$0x2], $0x1900, $0x38;
	[tilespmem:$0x1D650] =	vst v63  }
0x41: {  	_ =	swait.ge [sflag:s28], $0x1900  }
0x42: {  	[sflag:s28] =	ssyncset.done $0x0  }
0x43: {  	[sflag:s28] =	ssyncadd.s32 $0xFFFFE700  }
0x44: {  	[spmem:s17] =	stream.linear.scatter [tilespmem:s26], [sflag:$0x2], $0x1900, $0x38;
	[tilespmem:$0x1D650] =	vst v63  }
0x45: {  	_ =	swait.ge [sflag:s28], $0x1900  }
0x46: {  	[sflag:s28] =	ssyncset.done $0x0  }
0x47: {  	[sflag:s28] =	ssyncadd.s32 $0xFFFFE700  }
0x48: {  	[spmem:s18] =	stream.linear.scatter [tilespmem:s26], [sflag:$0x2], $0x1900, $0x38;
	[tilespmem:$0x1D650] =	vst v63  }
0x49: {  	_ =	swait.ge [sflag:s28], $0x1900  }
0x4a: {  	[sflag:s28] =	ssyncset.done $0x0  }
0x4b: {  	[sflag:s28] =	ssyncadd.s32 $0xFFFFE700  }
0x4c: {  	[spmem:s19] =	stream.linear.scatter [tilespmem:s26], [sflag:$0x2], $0x1900, $0x38;
	[tilespmem:$0x1D650] =	vst v63  }
0x4d: {  	_ =	swait.ge [sflag:s28], $0x1900  }
0x4e: {  	[sflag:s28] =	ssyncset.done $0x0  }
0x4f: {  	[sflag:s28] =	ssyncadd.s32 $0xFFFFE700  }
0x50: {  	[spmem:s20] =	stream.linear.scatter [tilespmem:s26], [sflag:$0x2], $0x1900, $0x38;
	[tilespmem:$0x1D650] =	vst v63  }
0x51: {  	_ =	swait.ge [sflag:s28], $0x1900  }
0x52: {  	[sflag:s28] =	ssyncset.done $0x0  }
0x53: {  	[sflag:s28] =	ssyncadd.s32 $0xFFFFE700  }
0x54: {  	[spmem:s21] =	stream.linear.scatter [tilespmem:s26], [sflag:$0x2], $0x1900, $0x38;
	[tilespmem:$0x1D650] =	vst v63  }
0x55: {  	_ =	swait.ge [sflag:s28], $0x1900  }
0x56: {  	[sflag:s28] =	ssyncset.done $0x0  }
0x57: {  	[sflag:s28] =	ssyncadd.s32 $0xFFFFE700  }
0x58: {  	[spmem:s22] =	stream.linear.scatter [tilespmem:s26], [sflag:$0x2], $0x1900, $0x38;
	[tilespmem:$0x1D650] =	vst v63  }
0x59: {  	_ =	swait.ge [sflag:s28], $0x1900  }
0x5a: {  	[sflag:s28] =	ssyncset.done $0x0  }
0x5b: {  	[sflag:s28] =	ssyncadd.s32 $0xFFFFE700  }
0x5c: {  	s9 =	sadd.s32 $0x0, s24;
	[bflag:$0x0] =	sbarrier.arrive $0xFFFF  }
0x5d: {  	[tilespmem:s29], [sflag:$0x2] =	stream.linear.gather [hbm4b:s9+s3], $0x3E8, $0x38;
	[tilespmem:$0x1D650] =	vst v63  }
0x5e: {  	_ =	swait.ge [sflag:s28], $0x3E8  }
0x5f: {  	[sflag:s28] =	ssyncset.done $0x0  }
0x60: {  	s10 =	sadd.s32 $0x0, s23;
	[sflag:s28] =	ssyncadd.s32 $0xFFFFFC18  }
0x61: {  	[tilespmem:s30], [sflag:$0x2] =	stream.linear.gather [hbm4b:s10+s3], $0x3E8, $0x38;
	[tilespmem:$0x1D650] =	vst v63  }
0x62: {  	_ =	swait.ge [sflag:s28], $0x3E8  }
0x63: {  	[sflag:s28] =	ssyncset.done $0x0  }
0x64: {  	[sflag:s28] =	ssyncadd.s32 $0xFFFFFC18  }
0x65: {  	[tilespmem:s26], [sflag:$0x1] =	stream.indirect.gather [hbm4b:s4+s31], $0x10, s29, s31, $0xb8;
	[tilespmem:$0x1D650] =	vst v63  }
0x66: {  	_ =	swait.ge [sflag:s1], $0x3E80  }
0x67: {  	[sflag:s1] =	ssyncset.done $0x0  }
0x68: {  	[sflag:s1] =	ssyncadd.s32 $0xFFFFC180  }
0x69: {  	[spmem:s2] =	stream.indirect.scatter.add.f32 [tilespmem:s26], [sflag:$0x2], $0x10, s30, s31, $0xb8;
	[tilespmem:$0x1D650] =	vst v63  }
0x6a: {  	_ =	swait.ge [sflag:s28], $0x3E80  }
0x6b: {  	s5 =	simm.s32 $0x7D;
	s7 =	simm.s32 $0xFA;
	[sflag:s28] =	ssyncset.done $0x0  }
.LBB2_4:
0x6c: {  	s8 =	sadd.s32 s5, s24  }
0x6d: {  	[sflag:s28] =	ssyncadd.s32 $0xFFFFC180;
	s9 =	smov.u32 s7;
	s10 =	sadd.s32 $0x7D, s7  }
0x6e: {  	[tilespmem:s29], [sflag:$0x2] =	stream.linear.gather [hbm4b:s8+s3], $0x3E8, $0x38;
	[tilespmem:$0x1D650] =	vst v63  }
0x6f: {  	p0 =	sne.s32 s7, $0x3057;
	_ =	swait.ge [sflag:s28], $0x3E8  }
0x70: {  	[sflag:s28] =	ssyncset.done $0x0  }
0x71: {  	s7 =	sadd.s32 s5, s23;
	s5 =	smov.u32 s9;
	[sflag:s28] =	ssyncadd.s32 $0xFFFFFC18  }
0x72: {  	[tilespmem:s30], [sflag:$0x2] =	stream.linear.gather [hbm4b:s7+s3], $0x3E8, $0x38;
	[tilespmem:$0x1D650] =	vst v63  }
0x73: {  	_ =	swait.ge [sflag:s28], $0x3E8  }
0x74: {  	[sflag:s28] =	ssyncset.done $0x0  }
0x75: {  	[sflag:s28] =	ssyncadd.s32 $0xFFFFFC18  }
0x76: {  	[tilespmem:s26], [sflag:$0x1] =	stream.indirect.gather [hbm4b:s4+s31], $0x10, s29, s31, $0xb8;
	[tilespmem:$0x1D650] =	vst v63  }
0x77: {  	_ =	swait.ge [sflag:s1], $0x3E80  }
.Ltmp1:
0x78: {  	[sflag:s1] =	ssyncset.done $0x0;
	(pc) =	sbr.rel @p0 .LBB2_4-.Ltmp1, $4  }
0x79: {  	[sflag:s1] =	ssyncadd.s32 $0xFFFFC180  }
0x7a: {  	[spmem:s2] =	stream.indirect.scatter.add.f32 [tilespmem:s26], [sflag:$0x2], $0x10, s30, s31, $0xb8;
	[tilespmem:$0x1D650] =	vst v63  }
0x7b: {  	_ =	swait.ge [sflag:s28], $0x3E80  }
0x7c: {  	s7 =	smov.u32 s10;
	[sflag:s28] =	ssyncset.done $0x0  }
0x7d: {  	s7 =	sadd.s32 s5, s24;
	[sflag:s28] =	ssyncadd.s32 $0xFFFFC180  }
0x7e: {  	[tilespmem:s29], [sflag:$0x2] =	stream.linear.gather [hbm4b:s7+s3], $0x3E8, $0x38;
	[tilespmem:$0x1D650] =	vst v63  }
0x7f: {  	_ =	swait.ge [sflag:s28], $0x3E8  }
0x80: {  	[sflag:s28] =	ssyncset.done $0x0  }
0x81: {  	s7 =	sadd.s32 s5, s23;
	[sflag:s28] =	ssyncadd.s32 $0xFFFFFC18  }
0x82: {  	[tilespmem:s30], [sflag:$0x2] =	stream.linear.gather [hbm4b:s7+s3], $0x3E8, $0x38;
	[tilespmem:$0x1D650] =	vst v63  }
0x83: {  	_ =	swait.ge [sflag:s28], $0x3E8  }
0x84: {  	[sflag:s28] =	ssyncset.done $0x0  }
0x85: {  	[sflag:s28] =	ssyncadd.s32 $0xFFFFFC18  }
0x86: {  	[tilespmem:s26], [sflag:$0x1] =	stream.indirect.gather [hbm4b:s4+s31], $0x10, s29, s31, $0xb8;
	[tilespmem:$0x1D650] =	vst v63  }
0x87: {  	_ =	swait.ge [sflag:s1], $0x3E80  }
0x88: {  	[sflag:s1] =	ssyncset.done $0x0  }
0x89: {  	[sflag:s1] =	ssyncadd.s32 $0xFFFFC180  }
0x8a: {  	[spmem:s2] =	stream.indirect.scatter.add.f32 [tilespmem:s26], [sflag:$0x2], $0x10, s30, s31, $0xb8;
	[tilespmem:$0x1D650] =	vst v63  }
0x8b: {  	_ =	swait.ge [sflag:s28], $0x3E80  }
0x8c: {  	[sflag:s28] =	ssyncset.done $0x0  }
0x8d: {  	s8 =	stileid.u32;
	[sflag:s28] =	ssyncadd.s32 $0xFFFFC180  }
0x8e: {  	s5 =	sshll.u32 s8, $0x6;
	[bflag:$0x0] =	sbarrier.arrive $0xFFFF  }
0x8f: {  	s5 =	sor.u32 $0x1C02, s5;
	s9 =	rddreg [dreg:$0x4]  }
0x90: {  	[hbm:s9], [sflag:s5] =	dma.local [spmem:s25], $0x3200  }
0x91: {  	_ =	swait.ge [sflag:s28], $0x3200  }
0x92: {  	s0 =	sadd.s32 $0x1, s0;
	s10 =	rddreg [dreg:$0x5]  }
0x93: {  	p0 =	sne.s32 s0, s10  }
.Ltmp2:
0x94: {  	_ = 	snop;
	(pc) =	sbr.rel @p0 .LBB2_1-.Ltmp2, $3  }
0x95: {  	_ =	sdelay $0x1  }
0x96: {  	[sflag:s28] =	ssyncset.done $0x0  }
0x97: {  	[sflag:s28] =	ssyncadd.s32 $0xFFFFCE00  }
0x98: {  	_ =	sfence.sel $0x180000  }
0x99: {  	[bflag:$0x0] =	sbarrier.arrive $0xFFFF  }
0x9a: {  	_ =	strace $0x9000004D  }
0x9b: {  	s0 =	stileid.u32;
	[bflag:$0x2] =	sbarrier.arrive $0xFFFF  }
0x9c: {  	p0 =	sne.s32 s0, $0x0;
	s0 =	rddreg [dreg:$0x3]  }
0x9d: {  	s0 =	sadd.s32 @!p0 $0x100000, s0  }
0x9e: {  	[sflag:s0] =	ssyncadd.tile.s32 @!p0 $0x1;
	_ =	shalt  }
.Lfunc_end2:
_tile_overlayer_lowered:
.L_overlay_start_2:
0x9f: {  	(tag) =	ssettag $0x2  }
0xa0: {  	s0 =	rddreg [dreg:$0x0];
	s2 =	stileid.u32  }
0xa1: {  	s1 =	rddreg [dreg:$0x1];
	p0 =	sne.s32 s2, $0x0  }
0xa2: {  	s3 =	rddreg [dreg:$0x2];
	[bflag:$0x3] =	sbarrier.arrive $0xFFFF;
	s2 =	simm.s32 @!p0 $0x1C02  }
0xa3: {  	[timem:s3], [sflag:s2] =	dma.local @!p0 [hbm:s0], s1  }
0xa4: {  	s0 =	simm.s32 @!p0 $0x2  }
0xa5: {  	_ =	swait.ge @!p0 [sflag:s0], s1  }
0xa6: {  	s1 =	ssub.s32 @!p0 $0x0, s1;
	[sflag:s0] =	ssyncset.done @!p0 $0x0  }
0xa7: {  	[sflag:s0] =	ssyncadd.s32 @!p0 s1  }
0xa8: {  	[bflag:$0x3] =	sbarrier.arrive $0xFFFF  }
0xa9: {  	_ =	shalt  }

// kernel: kernel.7.cloned.1.call-start
scs
__scs_entry_jumppad:
0x0: {  	(pc) =	sbr.rel $0x88, $3  }
0x1: {  	(tag) =	ssettag $0x0;
	lr =	simm.s32 $0x1  }
0x2: {  	[smem:$0x3F95] =	sst lr;
	_ =	strace $0xD0000000  }
0x3: {  	_ = 	snop  }
0x4: {  	_ = 	snop  }
0x5: {  	_ = 	snop  }
0x6: {  	_ = 	snop  }
0x7: {  	_ = 	snop  }
__scs_overlays_trampoline_lowered:
0x8: {  	[smem:$0x3FA4] =	sst s0  }
0x9: {  	[smem:$0x3FA5] =	sst s1  }
0xa: {  	[smem:$0x3FA6] =	sst s2  }
0xb: {  	[smem:$0x3FA7] =	sst s3  }
0xc: {  	[smem:$0x3FA8] =	sst s4  }
0xd: {  	[smem:$0x3FA9] =	sst s5  }
0xe: {  	[smem:$0x3FAA] =	sst s6  }
0xf: {  	[smem:$0x3FAB] =	sst s7  }
0x10: {  	[smem:$0x3FAC] =	sst s8  }
0x11: {  	[smem:$0x3FAD] =	sst s9;
	s0 =	simm.s32 @!p0 $0x0  }
0x12: {  	s1 =	sld [smem:$0x3F93];
	s0 =	simm.s32 @p0 $0x1  }
0x13: {  	[smem:$0x3FAE] =	sst s0;
	s0 =	simm.s32 @!p1 $0x0  }
0x14: {  	s2 =	sld [smem:$0x3F92];
	s0 =	simm.s32 @p1 $0x1  }
0x15: {  	[smem:$0x3FAF] =	sst s0;
	s0 =	simm.s32 @!p2 $0x0  }
0x16: {  	s3 =	sld [smem:$0x3FDB];
	s0 =	simm.s32 @p2 $0x1  }
0x17: {  	s4 =	simm.s32 $0x1BF5;
	[smem:$0x3FB1] =	sst s0  }
0x18: {  	s0 =	sld [smem:$0x3F94];
	_ =	swait.ge [sflag:s4], $0x0  }
0x19: {  	s7 =	sld [smem:$0x3F95]  }
0x1a: {  	s8 =	sadd.s32 $0xFFFFE003, lr  }
0x1b: {  	s9 =	sadd.s32 $0xFFFFFEF7, lr;
	s5 =	simm.s32 $0xFFFFFFFF;
	p2 =	slt.u32 s8, $0xFFFFF086  }
0x1c: {  	p1 =	slt.u32 s9, $0xF7A;
	s5 =	simm.s32 @!p2 $0x0  }
0x1d: {  	s5 =	simm.s32 @p1 $0x1;
	p0 =	seq.s32 s7, s2  }
0x1e: {  	s7 =	smul.u32 @!p0 $0xF7A, s2;
	p2 =	seq.s32 @!p0 s5, $0x0  }
0x1f: {  	s9 =	smul.u32 $0xF7A, s1;
	s8 =	simm.s32 @!p0 $0x1BF5;
	p2 =	por !p2, p0  }
0x20: {  	[sflag:s8] =	ssyncset.s32 @!p0 $0xFFFFF086;
	s6 =	sadd.s32 @!p0 s3, s7;
	s7 =	simm.s32 @!p0 $0x108  }
0x21: {  	s3 =	sadd.s32 s3, s9;
	s6 =	sadd.s32 @!p0 $0x88, s6;
	s7 =	simm.s32 @p2 $0x1082  }
0x22: {  	[simem:s7], [sflag:s8] =	dma.local @!p0 [hbm:s6], $0xF7A  }
0x23: {  	s9 =	sor.u32 $0xD0000000, s2;
	s6 =	simm.s32 $0x108;
	_ =	swait.ge @!p0 [sflag:s8], $0x0  }
0x24: {  	s3 =	sadd.s32 $0x88, s3;
	s6 =	simm.s32 @!p1 $0x1082;
	[sflag:s4] =	ssyncset.s32 $0xFFFFF086  }
0x25: {  	[simem:s6], [sflag:s4] =	dma.local [hbm:s3], $0xF7A  }
0x26: {  	[smem:$0x3F95] =	sst s1;
	(tag) =	ssettag s2;
	_ =	strace s9  }
0x27: {  	s1 =	sld [smem:$0x3FA5]  }
0x28: {  	s2 =	sld [smem:$0x3FA6]  }
0x29: {  	s4 =	sld [smem:$0x3FA8]  }
0x2a: {  	p0 =	seq.s32 s5, $0x0;
	s5 =	sld [smem:$0x3FA9]  }
0x2b: {  	s6 =	sld [smem:$0x3FAA]  }
0x2c: {  	s7 =	sld [smem:$0x3FAB]  }
0x2d: {  	s3 =	simm.s32 $0x108;
	s8 =	sld [smem:$0x3FAC]  }
0x2e: {  	s3 =	simm.s32 @!p0 $0x1082;
	s9 =	sld [smem:$0x3FAD]  }
0x2f: {  	lr =	sadd.s32 s0, s3;
	s0 =	sld [smem:$0x3FA4]  }
0x30: {  	s3 =	sld [smem:$0x3FA7]  }
0x31: {  	[smem:$0x3FB0] =	sst s10  }
0x32: {  	s10 =	sld [smem:$0x3FAE];
	_ =	sdelay $0x3  }
0x33: {  	p0 =	seq.s32 s10, $0x1;
	s10 =	sld [smem:$0x3FB0];
	_ =	sdelay $0x3  }
0x34: {  	[smem:$0x3FB0] =	sst s10  }
0x35: {  	s10 =	sld [smem:$0x3FAF];
	_ =	sdelay $0x3  }
0x36: {  	p1 =	seq.s32 s10, $0x1;
	s10 =	sld [smem:$0x3FB0];
	_ =	sdelay $0x3  }
0x37: {  	[smem:$0x3FB0] =	sst s10  }
0x38: {  	s10 =	sld [smem:$0x3FB1]  }
0x39: {  	_ = 	snop;
	(pc) =	sbr.ind lr, $3  }
0x3a: {  	_ = 	snop  }
0x3b: {  	_ = 	snop  }
0x3c: {  	p2 =	seq.s32 s10, $0x1;
	s10 =	sld [smem:$0x3FB0]  }
0x3d: {  	_ =	shalt  }
0x3e: {  	_ =	shalt  }
0x3f: {  	_ =	shalt  }
0x40: {  	_ =	shalt  }
0x41: {  	_ =	shalt  }
0x42: {  	_ =	shalt  }
0x43: {  	_ =	shalt  }
0x44: {  	_ =	shalt  }
0x45: {  	_ =	shalt  }
0x46: {  	_ =	shalt  }
0x47: {  	_ =	shalt  }
0x48: {  	_ =	shalt  }
0x49: {  	_ =	shalt  }
0x4a: {  	_ =	shalt  }
0x4b: {  	_ =	shalt  }
0x4c: {  	_ =	shalt  }
0x4d: {  	_ =	shalt  }
0x4e: {  	_ =	shalt  }
0x4f: {  	_ =	shalt  }
0x50: {  	_ =	shalt  }
0x51: {  	_ =	shalt  }
0x52: {  	_ =	shalt  }
0x53: {  	_ =	shalt  }
0x54: {  	_ =	shalt  }
0x55: {  	_ =	shalt  }
0x56: {  	_ =	shalt  }
0x57: {  	_ =	shalt  }
0x58: {  	_ =	shalt  }
0x59: {  	_ =	shalt  }
0x5a: {  	_ =	shalt  }
0x5b: {  	_ =	shalt  }
0x5c: {  	_ =	shalt  }
0x5d: {  	_ =	shalt  }
0x5e: {  	_ =	shalt  }
0x5f: {  	_ =	shalt  }
0x60: {  	_ =	shalt  }
0x61: {  	_ =	shalt  }
0x62: {  	_ =	shalt  }
0x63: {  	_ =	shalt  }
0x64: {  	_ =	shalt  }
0x65: {  	_ =	shalt  }
0x66: {  	_ =	shalt  }
0x67: {  	_ =	shalt  }
0x68: {  	_ =	shalt  }
0x69: {  	_ =	shalt  }
0x6a: {  	_ =	shalt  }
0x6b: {  	_ =	shalt  }
0x6c: {  	_ =	shalt  }
0x6d: {  	_ =	shalt  }
0x6e: {  	_ =	shalt  }
0x6f: {  	_ =	shalt  }
0x70: {  	_ =	shalt  }
0x71: {  	_ =	shalt  }
0x72: {  	_ =	shalt  }
0x73: {  	_ =	shalt  }
0x74: {  	_ =	shalt  }
0x75: {  	_ =	shalt  }
0x76: {  	_ =	shalt  }
0x77: {  	_ =	shalt  }
0x78: {  	_ =	shalt  }
0x79: {  	_ =	shalt  }
0x7a: {  	_ =	shalt  }
0x7b: {  	_ =	shalt  }
0x7c: {  	_ =	shalt  }
0x7d: {  	_ =	shalt  }
0x7e: {  	_ =	shalt  }
0x7f: {  	_ =	shalt  }
0x80: {  	_ =	shalt  }
0x81: {  	_ =	shalt  }
0x82: {  	_ =	shalt  }
0x83: {  	_ =	shalt  }
0x84: {  	_ =	shalt  }
0x85: {  	_ =	shalt  }
0x86: {  	_ =	shalt  }
0x87: {  	_ =	shalt  }
.Lfunc_end0:
.L_simem_size_0:
called_computation_lowered:
.L_overlay_start_0:
0x88: {  	s2 =	sld [smem:$0x3FD9]  }
0x89: {  	s3 =	sld [smem:$0x3FFE];
	_ =	sdelay $0x1  }
0x8a: {  	s1 =	srdreg.scid  }
0x8b: {  	s0 =	sand.u32 $0x1, s1  }
0x8c: {  	s17 =	sshll.u32 s0, $0xA;
	s2 =	sadd.s32 s3, s2  }
0x8d: {  	s2 =	sadd.s32 s2, s17  }
0x8e: {  	[smem:$0x3FBC] =	sst s2  }
0x8f: {  	_ = 	snop  }
0x90: {  	s2 =	sld [smem:$0x3FD0];
	(tm) =	ssettm $0x1  }
0x91: {  	s18 =	sld [smem:$0x3FFB];
	_ =	sdelay $0x3  }
0x92: {  	_ =	strace s18  }
0x93: {  	s3 =	sld [smem:$0x3FFC];
	_ =	sdelay $0x3  }
0x94: {  	_ =	strace s3  }
0x95: {  	s3 =	sld [smem:$0x3FFD];
	_ =	sdelay $0x3  }
0x96: {  	_ =	strace s3  }
0x97: {  	_ =	strace $0x8FFFFFFF  }
0x98: {  	s19 =	sld [smem:$0x3FDB];
	_ =	sdelay $0x1  }
0x99: {  	s4 =	simm.s32 $_scs_section_size  }
0x9a: {  	s5 =	simm.s32 $_size__tile_overlayer_lowered;
	s6 =	simm.s32 $_tile_overlayer_lowered  }
0x9b: {  	s22 =	simm.s32 $0x1BFF;
	s21 =	sshll.u32 s6, $0x1;
	s3 =	sadd.s32 s4, s19  }
0x9c: {  	s7 =	simm.s32 $0x0;
	s20 =	sshll.u32 s5, $0x1;
	s5 =	sadd.s32 s21, s3  }
0x9d: {  	[timem:s7], [sflag:s22] =	dma.local [hbm:s5], s20  }
0x9e: {  	_ =	swait.ge [sflag:s22], s20  }
0x9f: {  	s4 =	ssub.s32 $0x0, s20;
	[sflag:s22] =	ssyncset.done $0x0  }
0xa0: {  	[sflag:s22] =	ssyncadd.s32 s4;
	_ =	sdelay $0x1  }
0xa1: {  	s23 =	simm.s32 $0x1B8B  }
0xa2: {  	_ =	swait.ge [sflag:s23], $0x1  }
0xa3: {  	[sflag:s23] =	ssyncset.done $0x0  }
0xa4: {  	s25 =	simm.s32 $0x1B8E;
	s24 =	sld [smem:$0x3FFE];
	[sflag:s23] =	ssyncadd.s32 $0xFFFFFFFF  }
0xa5: {  	s26 =	simm.s32 $execute0_lowered;
	[smem:$0x3FD2] =	sst s25  }
0xa6: {  	s5 =	sshll.u32 s26, $0x1;
	_ =	strace $0x80000046;
	[dreg:$0x1] =	wrdreg $0xFFFFFFFF  }
0xa7: {  	s28 =	simm.s32 $_size_execute0_lowered;
	s3 =	sadd.s32 s3, s5;
	[dreg:$0x0] =	wrdreg $0x0  }
0xa8: {  	s5 =	sshll.u32 s28, $0x1;
	[dreg:$0x2] =	wrdreg s3  }
0xa9: {  	[dreg:$0x3] =	wrdreg s5  }
0xaa: {  	[dreg:$0x4] =	wrdreg $0xC0  }
0xab: {  	_ =	task [dreg:s7], $0x5FFFF  }
0xac: {  	[dreg:$0x1] =	wrdreg $0xFFFFFFFF  }
0xad: {  	[dreg:$0x0] =	wrdreg $0x60  }
0xae: {  	[dreg:$0x2] =	wrdreg s24  }
0xaf: {  	[dreg:$0x3] =	wrdreg s2  }
0xb0: {  	[dreg:$0x4] =	wrdreg $0x0  }
0xb1: {  	[dreg:$0x5] =	wrdreg $0x190000  }
0xb2: {  	[dreg:$0x6] =	wrdreg $0x1A9000  }
0xb3: {  	[dreg:$0x7] =	wrdreg $0x9  }
0xb4: {  	_ =	task.clear_ibuf [dreg:s7], $0x8FFFF;
	_ =	strace $0x90000046  }
0xb5: {  	s29 =	simm.s32 $0x9;
	_ =	strace $0x80000048  }
0xb6: {  	_ =	swait.ge [sflag:s29], $0x1  }
0xb7: {  	[sflag:s29] =	ssyncadd.s32 $0xFFFFFFFF  }
0xb8: {  	_ =	strace $0x90000048  }
0xb9: {  	_ =	sfence  }
0xba: {  	s30 =	sld [smem:$0x0];
	_ =	sdelay $0x2  }
0xbb: {  	s31 =	sshll.u32 s1, $0xD;
	s1 =	sshrl.u32 s1, $0x2  }
0xbc: {  	s3 =	sand.u32 $0x4000, s31;
	s1 =	sadd.s32 s1, s30  }
0xbd: {  	s0 =	sor.u32 s3, s0;
	s1 =	sshll.u32 s1, $0x11  }
0xbe: {  	s0 =	sor.u32 s1, s0  }
0xbf: {  	s0 =	sadd.s32 $0x8F2B, s0  }
0xc0: {  	[sflag:s0] =	ssyncadd.remote.s32 $0x1  }
0xc1: {  	_ =	sfence.sel $0xFFFF  }
0xc2: {  	[dreg:$0x0] =	wrdreg $0xFFFFFFFF;
	(pc) =	sbr.abs _section_cstart, $3  }
0xc3: {  	[dreg:$0x1] =	wrdreg $0xFFFFFFFF  }
0xc4: {  	_ =	task.clear_ibuf [dreg:s7], $0x2FFFF;
	_ =	strace $0x9FFFFFFF  }
0xc5: {  	(tm) =	ssettm $0x7FFFFFFF  }
tec
execute0_lowered:
.L_overlay_start_1:
0x0: {  	(tag) =	ssettag $0x1  }
0x1: {  	s6 =	rddreg [dreg:$0x0]  }
0x2: {  	s7 =	rddreg [dreg:$0x1];
	s0 =	stileid.u32  }
0x3: {  	s2 =	srdreg.scid;
	s8 =	smul.u32 $0x61A80, s0  }
0x4: {  	s1 =	rddreg [dreg:$0x2];
	s9 =	smul.u32 $0x30D40, s0  }
0x5: {  	s3 =	rddreg [dreg:$0x3];
	s12 =	smul.u32 $0x1900, s0  }
0x6: {  	s4 =	rddreg [dreg:$0x4];
	s5 =	simm.s32 $0x0;
	s14 =	smul.u32 $0x19000, s0  }
0x7: {  	s17 =	simm.s32 $0x1;
	s18 =	simm.s32 $0x1FA40;
	s29 =	smul.u32 $0x6400, s0  }
0x8: {  	s19 =	simm.s32 $0x1F400;
	s10 =	sand.u32 $0x1, s2;
	s30 =	smul.u32 $0x64000, s0  }
0x9: {  	s20 =	simm.s32 $0x1F720;
	s2 =	rddreg [dreg:$0x5];
	s11 =	smul.u32 $0x186A0, s10  }
0xa: {  	s21 =	simm.s32 $0x320;
	[smem:$0x7FF] =	sst s5;
	s13 =	smul.u32 $0x19000, s10  }
0xb: {  	s24 =	smul.u32 $0x190000, s10;
	_ =	strace $0x80000047;
	s26 =	ssub.s32 $0x2, s10  }
0xc: {  	s31 =	smul.u32 $0x30D40, s10;
	s15 =	sadd.s32 s8, s6;
	s28 =	sshrl.u32 s26, $0x1  }
0xd: {  	s22 =	sadd.s32 s14, s1;
	s23 =	sadd.s32 s12, s3;
	s9 =	sadd.s32 s11, s9  }
0xe: {  	s25 =	sadd.s32 s12, s13;
	s11 =	sadd.s32 s14, s24;
	s24 =	sadd.s32 s12, s4  }
0xf: {  	s12 =	sshrl.u32 s30, $0x2;
	s15 =	sadd.s32 s31, s15;
	s22 =	sshrl.u32 s22, $0x3  }
0x10: {  	s23 =	sshrl.u32 s23, $0x3;
	s9 =	sshrl.u32 s9, $0x3;
	s8 =	sshrl.u32 s25, $0x3  }
0x11: {  	s11 =	sshrl.u32 s11, $0x3;
	s12 =	sadd.s32 s12, s1;
	s15 =	sadd.s32 $0xC6C00, s15  }
0x12: {  	s24 =	sshrl.u32 s24, $0x3;
	s25 =	simm.s32 $0x0;
	s16 =	sadd.s32 s9, s6  }
0x13: {  	s8 =	sadd.s32 s8, s6;
	s9 =	ssub.s32 s26, s28;
	s6 =	sadd.s32 s7, s11  }
0x14: {  	s11 =	sshrl.u32 s29, $0x2;
	s7 =	sadd.s32 $0x6E1400, s8;
	s8 =	sadd.s32 $0x6E7800, s8  }
0x15: {  	s9 =	smax.u32 s9, $0x1;
	s10 =	sadd.s32 s11, s3;
	s11 =	sadd.s32 s11, s4  }
0x16: {  	v0 =	vimm.f32 $0.0e+00;
	v1 =	vimm.f32 $1.000000000e+00;
	s13 =	sadd.s32 $0x3400, s16;
	s14 =	sadd.s32 $0x65000, s16;
	s16 =	simm.s32 $0x1C200  }
.LBB2_1:
0x17: {  	s26 =	simm.s32 $0x40;
	s28 =	simm.s32 $0x0  }
.LBB2_2:
0x18: {  	p0 =	sne.s32 s26, $0x63C0;
	[tilespmem:s28+$0x1C200] =	vst v0;
	s28 =	smov.u32 s26;
	s26 =	sadd.s32 $0x40, s26  }
.Ltmp0:
0x19: {  	(pc) =	sbr.rel @p0 .LBB2_2-.Ltmp0, $2  }
0x1a: {  	_ =	sdelay $0x2  }
0x1b: {  	s28 =	sshra.s32 s28, $0x2  }
0x1c: {  	[tilespmem:s28+$0x1C200] =	vst v0  }
0x1d: {  	[tilespmem:$0x1FA40] =	vst v0  }
0x1e: {  	[tilespmem:$0x1FA50] =	vst v0  }
0x1f: {  	[tilespmem:$0x1FA60] =	vst v0  }
0x20: {  	[tilespmem:$0x1FA70] =	vst v0  }
0x21: {  	[tilespmem:$0x1FA80] =	vst v0  }
0x22: {  	[tilespmem:$0x1FA90] =	vst v0  }
0x23: {  	[tilespmem:$0x1FAA0] =	vst v0  }
0x24: {  	[tilespmem:$0x1FAB0] =	vst v0  }
0x25: {  	[tilespmem:$0x1FAC0] =	vst v0  }
0x26: {  	[tilespmem:$0x1FAD0] =	vst v0  }
0x27: {  	[tilespmem:$0x1FAE0] =	vst v0  }
0x28: {  	[tilespmem:$0x1FAF0] =	vst v0  }
0x29: {  	[tilespmem:$0x1FB00] =	vst v0  }
0x2a: {  	[tilespmem:$0x1FB10] =	vst v0  }
0x2b: {  	[tilespmem:$0x1FB20] =	vst v0  }
0x2c: {  	[tilespmem:$0x1FB30] =	vst v0  }
0x2d: {  	[tilespmem:$0x1FB40] =	vst v0  }
0x2e: {  	[tilespmem:$0x1FB50] =	vst v0  }
0x2f: {  	[tilespmem:$0x1FB60] =	vst v0  }
0x30: {  	[tilespmem:$0x1FB70] =	vst v0  }
0x31: {  	[tilespmem:$0x1FB80] =	vst v0  }
0x32: {  	[tilespmem:$0x1FB90] =	vst v0  }
0x33: {  	[tilespmem:$0x1FBA0] =	vst v0  }
0x34: {  	[tilespmem:$0x1FBB0] =	vst v0  }
0x35: {  	[tilespmem:$0x1FBC0] =	vst v0  }
0x36: {  	[spmem:s12] =	stream.linear.scatter [tilespmem:s16], [sflag:$0x1], $0x1900, $0x38;
	[tilespmem:$0x1FD60] =	vst v63  }
0x37: {  	_ =	swait.ge [sflag:s17], $0x1900  }
0x38: {  	[sflag:s17] =	ssyncset.done $0x0  }
0x39: {  	s26 =	sadd.s32 $0x0, s10;
	[sflag:s17] =	ssyncadd.s32 $0xFFFFE700  }
0x3a: {  	[spmem:s26] =	stream.linear.scatter [tilespmem:s18], [sflag:$0x1], $0x190, $0x38;
	[tilespmem:$0x1FD60] =	vst v63  }
0x3b: {  	_ =	swait.ge [sflag:s17], $0x190  }
0x3c: {  	[sflag:s17] =	ssyncset.done $0x0  }
0x3d: {  	s31 =	sadd.s32 $0x0, s11;
	[sflag:s17] =	ssyncadd.s32 $0xFFFFFE70  }
0x3e: {  	[spmem:s31] =	stream.linear.scatter [tilespmem:s18], [sflag:$0x1], $0x190, $0x38;
	[tilespmem:$0x1FD60] =	vst v63  }
0x3f: {  	s28 =	simm.s32 $0x640;
	_ =	swait.ge [sflag:s17], $0x190  }
0x40: {  	s29 =	smov.u32 s12;
	s26 =	simm.s32 $0x0;
	[sflag:s17] =	ssyncset.done $0x0  }
.LBB2_4:
0x41: {  	p0 =	sne.s32 s28, $0x5DC0;
	[sflag:s17] =	ssyncadd.s32 $0xFFFFFE70;
	s29 =	sadd.s32 $0x1900, s29  }
0x42: {  	[spmem:s29] =	stream.linear.scatter [tilespmem:s16], [sflag:$0x1], $0x1900, $0x38;
	[tilespmem:$0x1FD60] =	vst v63  }
0x43: {  	s30 =	smov.u32 s28;
	s28 =	sadd.s32 $0x640, s28;
	_ =	swait.ge [sflag:s17], $0x1900  }
0x44: {  	s30 =	sshra.s32 s30, $0x2;
	[sflag:s17] =	ssyncset.done $0x0  }
0x45: {  	s31 =	sadd.s32 s30, s10;
	[sflag:s17] =	ssyncadd.s32 $0xFFFFE700  }
0x46: {  	[spmem:s31] =	stream.linear.scatter [tilespmem:s18], [sflag:$0x1], $0x190, $0x38;
	[tilespmem:$0x1FD60] =	vst v63  }
0x47: {  	_ =	swait.ge [sflag:s17], $0x190  }
.Ltmp1:
0x48: {  	[sflag:s17] =	ssyncset.done $0x0;
	(pc) =	sbr.rel @p0 .LBB2_4-.Ltmp1, $4  }
0x49: {  	s30 =	sadd.s32 s30, s11;
	[sflag:s17] =	ssyncadd.s32 $0xFFFFFE70  }
0x4a: {  	[spmem:s30] =	stream.linear.scatter [tilespmem:s18], [sflag:$0x1], $0x190, $0x38;
	[tilespmem:$0x1FD60] =	vst v63  }
0x4b: {  	_ =	swait.ge [sflag:s17], $0x190  }
0x4c: {  	[sflag:s17] =	ssyncset.done $0x0  }
0x4d: {  	[sflag:s17] =	ssyncadd.s32 $0xFFFFFE70;
	s28 =	simm.s32 $0x40  }
.LBB2_6:
0x4e: {  	p0 =	sne.s32 s28, $0xC40;
	[tilespmem:s26+$0x1FA40] =	vst v1;
	s26 =	smov.u32 s28;
	s28 =	sadd.s32 $0x40, s28  }
.Ltmp2:
0x4f: {  	(pc) =	sbr.rel @p0 .LBB2_6-.Ltmp2, $2  }
0x50: {  	_ =	sdelay $0x2  }
0x51: {  	s26 =	sshra.s32 s26, $0x2  }
0x52: {  	[tilespmem:s26+$0x1FA40] =	vst v1  }
0x53: {  	[bflag:$0x0] =	sbarrier.arrive $0xFFFF  }
0x54: {  	[tilespmem:s16], [sflag:$0x1] =	stream.linear.gather [hbm4b:s15+s5], $0x3200, $0x38;
	[tilespmem:$0x1FD60] =	vst v63  }
0x55: {  	_ =	swait.ge [sflag:s17], $0x3200  }
0x56: {  	[sflag:s17] =	ssyncset.done $0x0  }
0x57: {  	s30 =	sadd.s32 $0x0, s14;
	[sflag:s17] =	ssyncadd.s32 $0xFFFFCE00  }
0x58: {  	[tilespmem:s19], [sflag:$0x1] =	stream.linear.gather [hbm4b:s30+s5], $0x320, $0x38;
	[tilespmem:$0x1FD60] =	vst v63  }
0x59: {  	_ =	swait.ge [sflag:s17], $0x320  }
0x5a: {  	[sflag:s17] =	ssyncset.done $0x0  }
0x5b: {  	s31 =	sadd.s32 $0x0, s13;
	[sflag:s17] =	ssyncadd.s32 $0xFFFFFCE0  }
0x5c: {  	[tilespmem:s20], [sflag:$0x1] =	stream.linear.gather [hbm4b:s31+s5], $0x320, $0x38;
	[tilespmem:$0x1FD60] =	vst v63  }
0x5d: {  	_ =	swait.ge [sflag:s17], $0x320  }
0x5e: {  	[sflag:s17] =	ssyncset.done $0x0  }
0x5f: {  	[sflag:s17] =	ssyncadd.s32 $0xFFFFFCE0  }
0x60: {  	[spmem:s1] =	stream.indirect.scatter.add.f32 [tilespmem:s16], [sflag:$0x1], $0x10, s19, s21, $0xb8;
	[tilespmem:$0x1FD60] =	vst v63  }
0x61: {  	_ =	swait.ge [sflag:s17], $0x3200  }
0x62: {  	[sflag:s17] =	ssyncset.done $0x0  }
0x63: {  	[sflag:s17] =	ssyncadd.s32 $0xFFFFCE00  }
0x64: {  	[spmem:s3] =	stream.indirect.scatter.add.f32 [tilespmem:s18], [sflag:$0x1], $0x1, s19, s21, $0xb8;
	[tilespmem:$0x1FD60] =	vst v63  }
0x65: {  	_ =	swait.ge [sflag:s17], $0x320  }
0x66: {  	[sflag:s17] =	ssyncset.done $0x0  }
0x67: {  	[sflag:s17] =	ssyncadd.s32 $0xFFFFFCE0  }
0x68: {  	[spmem:s4] =	stream.indirect.scatter.add.f32 [tilespmem:s18], [sflag:$0x1], $0x1, s20, s21, $0xb8;
	[tilespmem:$0x1FD60] =	vst v63  }
0x69: {  	_ =	swait.ge [sflag:s17], $0x320  }
0x6a: {  	s26 =	simm.s32 $0x64;
	s28 =	smov.u32 s15;
	[sflag:s17] =	ssyncset.done $0x0  }
.LBB2_8:
0x6b: {  	p0 =	sne.s32 s26, $0x3070;
	[sflag:s17] =	ssyncadd.s32 $0xFFFFFCE0;
	s28 =	sadd.s32 $0x640, s28  }
0x6c: {  	[tilespmem:s16], [sflag:$0x1] =	stream.linear.gather [hbm4b:s28+s5], $0x3200, $0x38;
	[tilespmem:$0x1FD60] =	vst v63  }
0x6d: {  	s29 =	smov.u32 s26;
	s26 =	sadd.s32 $0x64, s26;
	_ =	swait.ge [sflag:s17], $0x3200  }
0x6e: {  	[sflag:s17] =	ssyncset.done $0x0  }
0x6f: {  	s30 =	sadd.s32 s29, s14;
	[sflag:s17] =	ssyncadd.s32 $0xFFFFCE00  }
0x70: {  	[tilespmem:s19], [sflag:$0x1] =	stream.linear.gather [hbm4b:s30+s5], $0x320, $0x38;
	[tilespmem:$0x1FD60] =	vst v63  }
0x71: {  	_ =	swait.ge [sflag:s17], $0x320  }
0x72: {  	[sflag:s17] =	ssyncset.done $0x0  }
0x73: {  	s29 =	sadd.s32 s29, s13;
	[sflag:s17] =	ssyncadd.s32 $0xFFFFFCE0  }
0x74: {  	[tilespmem:s20], [sflag:$0x1] =	stream.linear.gather [hbm4b:s29+s5], $0x320, $0x38;
	[tilespmem:$0x1FD60] =	vst v63  }
0x75: {  	_ =	swait.ge [sflag:s17], $0x320  }
0x76: {  	[sflag:s17] =	ssyncset.done $0x0  }
0x77: {  	[sflag:s17] =	ssyncadd.s32 $0xFFFFFCE0  }
0x78: {  	[spmem:s1] =	stream.indirect.scatter.add.f32 [tilespmem:s16], [sflag:$0x1], $0x10, s19, s21, $0xb8;
	[tilespmem:$0x1FD60] =	vst v63  }
0x79: {  	_ =	swait.ge [sflag:s17], $0x3200  }
0x7a: {  	[sflag:s17] =	ssyncset.done $0x0  }
0x7b: {  	[sflag:s17] =	ssyncadd.s32 $0xFFFFCE00  }
0x7c: {  	[spmem:s3] =	stream.indirect.scatter.add.f32 [tilespmem:s18], [sflag:$0x1], $0x1, s19, s21, $0xb8;
	[tilespmem:$0x1FD60] =	vst v63  }
0x7d: {  	_ =	swait.ge [sflag:s17], $0x320  }
.Ltmp3:
0x7e: {  	[sflag:s17] =	ssyncset.done $0x0;
	(pc) =	sbr.rel @p0 .LBB2_8-.Ltmp3, $4  }
0x7f: {  	[sflag:s17] =	ssyncadd.s32 $0xFFFFFCE0  }
0x80: {  	[spmem:s4] =	stream.indirect.scatter.add.f32 [tilespmem:s18], [sflag:$0x1], $0x1, s20, s21, $0xb8;
	[tilespmem:$0x1FD60] =	vst v63  }
0x81: {  	_ =	swait.ge [sflag:s17], $0x320  }
0x82: {  	[sflag:s17] =	ssyncset.done $0x0  }
0x83: {  	[sflag:s17] =	ssyncadd.s32 $0xFFFFFCE0;
	s26 =	sshll.u32 s0, $0x6  }
0x84: {  	[bflag:$0x0] =	sbarrier.arrive $0xFFFF;
	s26 =	sor.u32 $0x1C01, s26  }
0x85: {  	[hbm:s6], [sflag:s26] =	dma.local [spmem:s22], $0x3200  }
0x86: {  	_ =	swait.ge [sflag:s17], $0x3200  }
0x87: {  	[sflag:s17] =	ssyncset.done $0x0  }
0x88: {  	[sflag:s17] =	ssyncadd.s32 $0xFFFFCE00  }
0x89: {  	[hbm:s7], [sflag:s26] =	dma.local [spmem:s23], $0x320  }
0x8a: {  	s25 =	sadd.s32 $0x1, s25;
	_ =	swait.ge [sflag:s17], $0x320  }
0x8b: {  	p0 =	sne.s32 s25, s9;
	[sflag:s17] =	ssyncset.done $0x0  }
.Ltmp4:
0x8c: {  	[sflag:s17] =	ssyncadd.s32 $0xFFFFFCE0;
	(pc) =	sbr.rel @p0 .LBB2_1-.Ltmp4, $4  }
0x8d: {  	[hbm:s8], [sflag:s26] =	dma.local [spmem:s24], $0x320  }
0x8e: {  	_ =	swait.ge [sflag:s17], $0x320  }
0x8f: {  	[sflag:s17] =	ssyncset.done $0x0  }
0x90: {  	[sflag:s17] =	ssyncadd.s32 $0xFFFFFCE0  }
0x91: {  	_ =	sfence.sel $0x180000  }
0x92: {  	[bflag:$0x0] =	sbarrier.arrive $0xFFFF  }
0x93: {  	p0 =	sne.s32 s0, $0x0;
	_ =	strace $0x90000047  }
0x94: {  	s0 =	sadd.s32 @!p0 $0x100000, s2;
	[bflag:$0x2] =	sbarrier.arrive $0xFFFF  }
0x95: {  	[sflag:s0] =	ssyncadd.tile.s32 @!p0 $0x1;
	_ =	shalt  }
.Lfunc_end2:
_tile_overlayer_lowered:
.L_overlay_start_2:
0x96: {  	(tag) =	ssettag $0x2  }
0x97: {  	s0 =	rddreg [dreg:$0x0];
	s2 =	stileid.u32  }
0x98: {  	s1 =	rddreg [dreg:$0x1];
	p0 =	sne.s32 s2, $0x0  }
0x99: {  	s3 =	rddreg [dreg:$0x2];
	[bflag:$0x3] =	sbarrier.arrive $0xFFFF;
	s2 =	simm.s32 @!p0 $0x1C01  }
0x9a: {  	[timem:s3], [sflag:s2] =	dma.local @!p0 [hbm:s0], s1  }
0x9b: {  	s0 =	simm.s32 @!p0 $0x1  }
0x9c: {  	_ =	swait.ge @!p0 [sflag:s0], s1  }
0x9d: {  	s1 =	ssub.s32 @!p0 $0x0, s1;
	[sflag:s0] =	ssyncset.done @!p0 $0x0  }
0x9e: {  	[sflag:s0] =	ssyncadd.s32 @!p0 s1  }
0x9f: {  	[bflag:$0x3] =	sbarrier.arrive $0xFFFF  }
0xa0: {  	_ =	shalt  }

</sc_bundles>
